<compile_context>
chip_gen: v7x
topology: tpu7x:2x2x1
jax: 0.10.2.dev20260603
libtpu: 0.0.44.dev20260713+nightly
codegen_flags: <defaults>
</compile_context>

<pallas_src>
import functools

import jax
import jax.numpy as jnp
import numpy as np
from jax import lax
from jax.experimental import pallas as pl
from jax.experimental.pallas import tpu as pltpu
from jax.experimental.pallas import tpu_sc as plsc

_RADIUS = 0.2
_K = 32
_B, _N, _M, _C = 4, 8192, 2048, 64
_L = 16
_GROUP = 8


def _bf16_round(x):
    u = plsc.bitcast(x, jnp.int32)
    r = (u + 0x7FFF + ((u >> 16) & 1)) & jnp.int32(-65536)
    return plsc.bitcast(r, jnp.float32)


def _make_kernel(b_sz, n_pts, m_ctr, n_feat, k_nb, radius):
    n_ch = 3 + n_feat
    nw = 32
    chunk = (b_sz * m_ctr) // nw
    assert (b_sz * m_ctr) % nw == 0 and m_ctr % chunk == 0
    slots = chunk * k_nb
    nvec = n_pts // _L
    r2 = np.float32(radius * radius)

    mesh = plsc.VectorSubcoreMesh(core_axis_name="c", subcore_axis_name="s")

    @functools.partial(
        pl.kernel,
        out_type=jax.ShapeDtypeStruct((b_sz, n_ch * m_ctr * k_nb),
                                      jnp.float32),
        mesh=mesh,
        compiler_params=pltpu.CompilerParams(needs_layout_passes=False),
        scratch_types=[
            pltpu.VMEM((3 * n_pts,), jnp.float32),
            pltpu.VMEM((3 * n_pts,), jnp.float32),
            pltpu.VMEM((n_pts,), jnp.float32),
            pltpu.VMEM((3 * chunk,), jnp.float32),
            pltpu.VMEM((slots + 256,), jnp.int32),
            pltpu.VMEM((slots,), jnp.int32),
            pltpu.VMEM((n_pts,), jnp.float32),
            pltpu.VMEM((slots,), jnp.float32),
            pltpu.VMEM((_GROUP * _L,), jnp.int32),
        ],
    )
    def kern(pts_hbm, ctr_hbm, feat_hbm, out_hbm,
             pts_v, ptsb_v, p2_v, ctr_v, idx_v, mid_v, ftab_v, obuf_v,
             stage_v):
        wid = lax.axis_index("s") * 2 + lax.axis_index("c")
        b = wid // (m_ctr // chunk)
        m0 = (wid % (m_ctr // chunk)) * chunk

        iota = lax.iota(jnp.int32, _L)
        zero16 = jnp.zeros((_L,), jnp.int32)

        pltpu.sync_copy(pts_hbm.at[b], pts_v)
        for c in range(3):
            pltpu.sync_copy(ctr_hbm.at[b, pl.ds(c * m_ctr + m0, chunk)],
                            ctr_v.at[pl.ds(c * chunk, chunk)])

        def pre_body(j, _):
            o = j * _L
            x = pts_v[pl.ds(o, _L)]
            y = pts_v[pl.ds(n_pts + o, _L)]
            z = pts_v[pl.ds(2 * n_pts + o, _L)]
            ptsb_v[pl.ds(o, _L)] = _bf16_round(x)
            ptsb_v[pl.ds(n_pts + o, _L)] = _bf16_round(y)
            ptsb_v[pl.ds(2 * n_pts + o, _L)] = _bf16_round(z)
            p2_v[pl.ds(o, _L)] = (x * x + y * y) + z * z
            return 0

        lax.fori_loop(0, nvec, pre_body, 0)

        def mid_body(j, _):
            o = j * _L
            mid_v[pl.ds(o, _L)] = (jnp.full((_L,), o, jnp.int32) + iota) >> 5
            return 0

        lax.fori_loop(0, slots // _L, mid_body, 0)

        def center_body(i, _):
            ii = jnp.full((_L,), i, jnp.int32)
            cx = plsc.load_gather(ctr_v, [ii])
            cy = plsc.load_gather(ctr_v, [ii + chunk])
            cz = plsc.load_gather(ctr_v, [ii + 2 * chunk])
            cxb = _bf16_round(cx)
            cyb = _bf16_round(cy)
            czb = _bf16_round(cz)
            c2 = (cx * cx + cy * cy) + cz * cz
            base_v = jnp.full((_L,), i * k_nb, jnp.int32)

            def cond(st):
                n0, _, found = st
                return jnp.logical_and(found < k_nb, n0 < n_pts)

            def body(st):
                n0, wp, _ = st
                pxs, pys, pzs, p2s = [], [], [], []
                for g in range(_GROUP):
                    o = n0 + g * _L
                    pxs.append(ptsb_v[pl.ds(o, _L)])
                    pys.append(ptsb_v[pl.ds(n_pts + o, _L)])
                    pzs.append(ptsb_v[pl.ds(2 * n_pts + o, _L)])
                    p2s.append(p2_v[pl.ds(o, _L)])
                ms = []
                for g in range(_GROUP):
                    t1 = cxb * pxs[g]
                    t2 = cyb * pys[g]
                    t3 = czb * pzs[g]
                    s = t1 + t2
                    bb = s - t1
                    e1 = (t1 - (s - bb)) + (t2 - bb)
                    t = s + t3
                    bb2 = t - s
                    e2 = (s - (t - bb2)) + (t3 - bb2)
                    dot = t + (e1 + e2)
                    d2 = (c2 + p2s[g]) - 2.0 * dot
                    ms.append(d2 < r2)
                cnts = []
                for g in range(_GROUP):
                    o = n0 + g * _L
                    lanes = jnp.full((_L,), o, jnp.int32) + iota
                    plsc.store_compressed(stage_v.at[pl.ds(g * _L, _L)],
                                          lanes, mask=ms[g])
                    cnts.append(plsc.all_reduce_population_count(ms[g]))
                for g in range(_GROUP):
                    sv = stage_v[pl.ds(g * _L, _L)]
                    pos = base_v + wp + iota
                    plsc.store_scatter(idx_v, [pos], sv, mask=iota < cnts[g])
                    wp = wp + cnts[g]
                found = jnp.max(wp)
                return n0 + _GROUP * _L, wp, found

            _, _, found = lax.while_loop(cond, body, (0, zero16, 0))

            found_v = jnp.full((_L,), found, jnp.int32)
            first = plsc.load_gather(idx_v, [base_v])
            first = jnp.where(found_v > 0, first, zero16)
            v0 = idx_v[pl.ds(i * k_nb, _L)]
            idx_v[pl.ds(i * k_nb, _L)] = jnp.where(iota < found_v, v0, first)
            v1 = idx_v[pl.ds(i * k_nb + _L, _L)]
            idx_v[pl.ds(i * k_nb + _L, _L)] = jnp.where(
                iota + _L < found_v, v1, first)
            return 0

        lax.fori_loop(0, chunk, center_body, 0)

        nslot_vec = slots // _L
        for c in range(3):

            def coord_body(j, _, c=c):
                o = j * _L
                idxv = idx_v[pl.ds(o, _L)]
                mv = mid_v[pl.ds(o, _L)]
                pv = plsc.load_gather(pts_v, [idxv + c * n_pts])
                cv = plsc.load_gather(ctr_v, [mv + c * chunk])
                obuf_v[pl.ds(o, _L)] = pv - cv
                return 0

            lax.fori_loop(0, nslot_vec, coord_body, 0)
            pltpu.sync_copy(
                obuf_v,
                out_hbm.at[b, pl.ds(c * m_ctr * k_nb + m0 * k_nb, slots)])

        def feat_body(c, _):
            pltpu.sync_copy(feat_hbm.at[b, pl.ds(c * n_pts, n_pts)], ftab_v)

            def g_body(j, _):
                o = j * _L
                idxv = idx_v[pl.ds(o, _L)]
                obuf_v[pl.ds(o, _L)] = plsc.load_gather(ftab_v, [idxv])
                return 0

            lax.fori_loop(0, nslot_vec, g_body, 0)
            pltpu.sync_copy(
                obuf_v,
                out_hbm.at[b, pl.ds((3 + c) * m_ctr * k_nb + m0 * k_nb,
                                    slots)])
            return 0

        lax.fori_loop(0, n_feat, feat_body, 0)

    return kern


_kern = _make_kernel(_B, _N, _M, _C, _K, _RADIUS)


def kernel(points_coords, centers_coords, points_features):
    out = _kern(points_coords.reshape(_B, 3 * _N),
                centers_coords.reshape(_B, 3 * _M),
                points_features.reshape(_B, _C * _N))
    return out.reshape(_B, 3 + _C, _M, _K)

# --- scband reference (transcript-rebuilt; emitter-appended) ---
"""Pipeline reference for scband-ball-query-86260123173793 (READ-ONLY COPY).

The authoritative reference and input builder live on the scoring server;
editing this copy changes nothing except your own understanding.
"""

import jax, jax.numpy as jnp
import numpy as np

RADIUS = 0.2
NUM_NEIGHBORS = 32

B, N, M, C = 4, 8192, 2048, 64


def setup_inputs(seed: int = 0) -> dict:
    key = jax.random.key(seed)
    k1, k2, k3 = jax.random.split(key, 3)
    points_coords = jax.random.uniform(k1, (B, 3, N), dtype=jnp.float32)
    centers_coords = jax.random.uniform(k2, (B, 3, M), dtype=jnp.float32)
    points_features = jax.random.normal(k3, (B, C, N), dtype=jnp.float32)
    return {
        "points_coords": points_coords,
        "centers_coords": centers_coords,
        "points_features": points_features,
    }


def _ball_query(centers_coords, points_coords, radius, k):
    # centers_coords: [B, 3, M], points_coords: [B, 3, N]
    c = jnp.swapaxes(centers_coords, 1, 2)  # [B, M, 3]
    p = jnp.swapaxes(points_coords, 1, 2)   # [B, N, 3]
    c2 = jnp.sum(c * c, axis=-1)            # [B, M]
    p2 = jnp.sum(p * p, axis=-1)            # [B, N]
    dist2 = c2[:, :, None] + p2[:, None, :] - 2.0 * jnp.einsum('bmd,bnd->bmn', c, p)
    mask = dist2 < radius * radius          # [B, M, N]
    # stable argsort: indices of in-radius points first, in ascending point-index order
    order = jnp.argsort(jnp.where(mask, 0, 1), axis=-1)  # [B, M, N]
    first_k = order[..., :k]                              # [B, M, k]
    valid_count = jnp.sum(mask, axis=-1)                  # [B, M]
    slot = jnp.arange(k)
    pad = first_k[..., :1]  # replicate first found index (classic ball_query padding)
    idx = jnp.where(slot[None, None, :] < valid_count[..., None], first_k, pad)
    return idx  # [B, M, k] int32


def _grouping(feats, idx):
    # feats: [B, C, N], idx: [B, M, K] -> [B, C, M, K]
    b, c, n = feats.shape
    _, m, k = idx.shape
    idx_b = jnp.broadcast_to(idx.reshape(b, 1, m * k), (b, c, m * k))
    return jnp.take_along_axis(feats, idx_b, axis=2).reshape(b, c, m, k)


def reference(points_coords, centers_coords, points_features):
    neighbor_indices = _ball_query(centers_coords, points_coords, RADIUS, NUM_NEIGHBORS)
    neighbor_coordinates = _grouping(points_coords, neighbor_indices)
    neighbor_coordinates = neighbor_coordinates - centers_coords[:, :, :, None]
    neighbor_features = _grouping(points_features, neighbor_indices)
    # include_coordinates=True
    neighbor_features = jnp.concatenate([neighbor_coordinates, neighbor_features], axis=1)
    return neighbor_features  # [B, 3 + C, M, K]

if __name__ == "__main__":
    import jax
    _d = setup_inputs()
    print(jax.jit(kernel)(*tuple(_d.values())))

</pallas_src>

<mosaic_0001>
#map = affine_map<(d0, d1) -> (0, 0)>
module attributes {stable_mosaic.version = 14 : i64} {
  func.func @kern(%arg0: i32, %arg1: i32, %arg2: memref<4x24576xf32, #tpu.memory_space<hbm>>, %arg3: memref<4x6144xf32, #tpu.memory_space<hbm>>, %arg4: memref<4x524288xf32, #tpu.memory_space<hbm>>, %arg5: memref<4x4390912xf32, #tpu.memory_space<hbm>>, %arg6: memref<24576xf32, #tpu.memory_space<vmem>>, %arg7: memref<24576xf32, #tpu.memory_space<vmem>>, %arg8: memref<8192xf32, #tpu.memory_space<vmem>>, %arg9: memref<768xf32, #tpu.memory_space<vmem>>, %arg10: memref<8448xi32, #tpu.memory_space<vmem>>, %arg11: memref<8192xi32, #tpu.memory_space<vmem>>, %arg12: memref<8192xf32, #tpu.memory_space<vmem>>, %arg13: memref<8192xf32, #tpu.memory_space<vmem>>, %arg14: memref<128xi32, #tpu.memory_space<vmem>>) attributes {dimension_semantics = [#tpu.dimension_semantics<core_parallel>, #tpu.dimension_semantics<subcore_parallel>], iteration_bounds = array<i64: 2, 16>, scalar_prefetch = 0 : i64, scratch_operands = 9 : i64, tpu.core_type = #tpu.core_type<sc_vector_subcore>, window_params = [{transform_indices = #map}, {transform_indices = #map}, {transform_indices = #map}, {transform_indices = #map}]} {
    %mul3A = arith.constant 2 : i32
    %mul3A_0 = arith.muli %arg1, %mul3A : i32
    %add3A = arith.addi %mul3A_0, %arg0 : i32
    %jit3A = arith.constant 8 : i32
    %div3A = arith.divsi %add3A, %jit3A : i32
    %sign3A = arith.constant 0 : i32
    %sign3A_1 = arith.cmpi sgt, %add3A, %sign3A : i32
    %sign3A_2 = arith.extui %sign3A_1 : i1 to i32
    %sign3A_3 = arith.constant 0 : i32
    %sign3A_4 = arith.cmpi slt, %add3A, %sign3A_3 : i32
    %sign3A_5 = arith.extui %sign3A_4 : i1 to i32
    %sign3A_6 = arith.subi %sign3A_2, %sign3A_5 : i32
    %sign3A_7 = arith.constant 0 : i32
    %sign3A_8 = arith.cmpi sgt, %jit3A, %sign3A_7 : i32
    %sign3A_9 = arith.extui %sign3A_8 : i1 to i32
    %sign3A_10 = arith.constant 0 : i32
    %sign3A_11 = arith.cmpi slt, %jit3A, %sign3A_10 : i32
    %sign3A_12 = arith.extui %sign3A_11 : i1 to i32
    %sign3A_13 = arith.subi %sign3A_9, %sign3A_12 : i32
    %ne3A = arith.cmpi ne, %sign3A_6, %sign3A_13 : i32
    %rem3A = arith.remsi %add3A, %jit3A : i32
    %ne3A_14 = arith.constant 0 : i32
    %ne3A_15 = arith.cmpi ne, %rem3A, %ne3A_14 : i32
    %and3A = arith.andi %ne3A, %ne3A_15 : i1
    %sub3A = arith.constant 1 : i32
    %sub3A_16 = arith.subi %div3A, %sub3A : i32
    %select_n3A = arith.select %and3A, %sub3A_16, %div3A : i32
    %jit3A_17 = arith.constant 8 : i32
    %eq3A = arith.constant 0 : i32
    %eq3A_18 = arith.cmpi eq, %jit3A_17, %eq3A : i32
    %jit3A_19 = arith.constant 1 : i32
    %select_n3A_20 = arith.select %eq3A_18, %jit3A_19, %jit3A_17 : i32
    %rem3A_21 = arith.remsi %add3A, %select_n3A_20 : i32
    %ne3A_22 = arith.constant 0 : i32
    %ne3A_23 = arith.cmpi ne, %rem3A_21, %ne3A_22 : i32
    %lt3A = arith.constant 0 : i32
    %lt3A_24 = arith.cmpi slt, %rem3A_21, %lt3A : i32
    %lt3A_25 = arith.constant 0 : i32
    %lt3A_26 = arith.cmpi slt, %select_n3A_20, %lt3A_25 : i32
    %ne3A_27 = arith.xori %lt3A_24, %lt3A_26 : i1
    %and3A_28 = arith.andi %ne3A_27, %ne3A_23 : i1
    %add3A_29 = arith.addi %rem3A_21, %select_n3A_20 : i32
    %select_n3A_30 = arith.select %and3A_28, %add3A_29, %rem3A_21 : i32
    %mul3A_31 = arith.constant 256 : i32
    %mul3A_32 = arith.muli %select_n3A_30, %mul3A_31 : i32
    %iota3A = tpu.iota {dimensions = array<i32: 0>} : vector<16xi32>
    %broadcast_in_dim3A = arith.constant 0 : i32
    %broadcast_in_dim3A_33 = vector.broadcast %broadcast_in_dim3A : i32 to vector<16xi32>
    "tpu.region"() ({
      %run_scoped3A = tpu.sem_alloc : memref<!tpu.dma_semaphore, #tpu.memory_space<semaphore_mem>>
      %dma_start3A = arith.constant 0 : i32
      %dma_start3A_100 = tpu.memref_slice %arg2[%select_n3A, %dma_start3A] : memref<4x24576xf32, #tpu.memory_space<hbm>> -> memref<1x24576xf32, #tpu.memory_space<hbm>>
      %dma_start3A_101 = tpu.memref_squeeze %dma_start3A_100 : memref<1x24576xf32, #tpu.memory_space<hbm>> -> memref<24576xf32, #tpu.memory_space<hbm>>
      %dma_start3A_102 = arith.constant 0 : i32
      %dma_start3A_103 = tpu.memref_slice %arg2[%select_n3A, %dma_start3A_102] : memref<4x24576xf32, #tpu.memory_space<hbm>> -> memref<1x24576xf32, #tpu.memory_space<hbm>>
      %dma_start3A_104 = tpu.memref_squeeze %dma_start3A_103 : memref<1x24576xf32, #tpu.memory_space<hbm>> -> memref<24576xf32, #tpu.memory_space<hbm>>
      tpu.enqueue_dma source(%dma_start3A_104 : memref<24576xf32, #tpu.memory_space<hbm>>) target(%arg6 : memref<24576xf32, #tpu.memory_space<vmem>>) target_semaphore(%run_scoped3A : memref<!tpu.dma_semaphore, #tpu.memory_space<semaphore_mem>>)
      %dma_wait3A = arith.constant 0 : i32
      %dma_wait3A_105 = tpu.memref_slice %arg2[%select_n3A, %dma_wait3A] : memref<4x24576xf32, #tpu.memory_space<hbm>> -> memref<1x24576xf32, #tpu.memory_space<hbm>>
      %dma_wait3A_106 = tpu.memref_squeeze %dma_wait3A_105 : memref<1x24576xf32, #tpu.memory_space<hbm>> -> memref<24576xf32, #tpu.memory_space<hbm>>
      %dma_wait3A_107 = arith.constant 0 : i32
      %dma_wait3A_108 = tpu.memref_slice %arg2[%select_n3A, %dma_wait3A_107] : memref<4x24576xf32, #tpu.memory_space<hbm>> -> memref<1x24576xf32, #tpu.memory_space<hbm>>
      %dma_wait3A_109 = tpu.memref_squeeze %dma_wait3A_108 : memref<1x24576xf32, #tpu.memory_space<hbm>> -> memref<24576xf32, #tpu.memory_space<hbm>>
      tpu.wait_dma2 semaphore(%run_scoped3A : memref<!tpu.dma_semaphore, #tpu.memory_space<semaphore_mem>>) src(%dma_wait3A_109 : memref<24576xf32, #tpu.memory_space<hbm>>) dst(%arg6 : memref<24576xf32, #tpu.memory_space<vmem>>)
      tpu.yield
    }) : () -> ()
    %add3A_34 = arith.constant 0 : i32
    %add3A_35 = arith.addi %add3A_34, %mul3A_32 : i32
    "tpu.region"() ({
      %run_scoped3A = tpu.sem_alloc : memref<!tpu.dma_semaphore, #tpu.memory_space<semaphore_mem>>
      %dma_start3A = arith.constant 0 : i32
      %dma_start3A_100 = tpu.memref_slice %arg9[%dma_start3A] : memref<768xf32, #tpu.memory_space<vmem>> -> memref<256xf32, #tpu.memory_space<vmem>>
      %dma_start3A_101 = tpu.memref_slice %arg3[%select_n3A, %add3A_35] : memref<4x6144xf32, #tpu.memory_space<hbm>> -> memref<1x256xf32, #tpu.memory_space<hbm>>
      %dma_start3A_102 = tpu.memref_squeeze %dma_start3A_101 : memref<1x256xf32, #tpu.memory_space<hbm>> -> memref<256xf32, #tpu.memory_space<hbm>>
      %dma_start3A_103 = arith.constant 0 : i32
      %dma_start3A_104 = tpu.memref_slice %arg9[%dma_start3A_103] : memref<768xf32, #tpu.memory_space<vmem>> -> memref<256xf32, #tpu.memory_space<vmem>>
      %dma_start3A_105 = tpu.memref_slice %arg3[%select_n3A, %add3A_35] : memref<4x6144xf32, #tpu.memory_space<hbm>> -> memref<1x256xf32, #tpu.memory_space<hbm>>
      %dma_start3A_106 = tpu.memref_squeeze %dma_start3A_105 : memref<1x256xf32, #tpu.memory_space<hbm>> -> memref<256xf32, #tpu.memory_space<hbm>>
      tpu.enqueue_dma source(%dma_start3A_106 : memref<256xf32, #tpu.memory_space<hbm>>) target(%dma_start3A_104 : memref<256xf32, #tpu.memory_space<vmem>>) target_semaphore(%run_scoped3A : memref<!tpu.dma_semaphore, #tpu.memory_space<semaphore_mem>>)
      %dma_wait3A = arith.constant 0 : i32
      %dma_wait3A_107 = tpu.memref_slice %arg9[%dma_wait3A] : memref<768xf32, #tpu.memory_space<vmem>> -> memref<256xf32, #tpu.memory_space<vmem>>
      %dma_wait3A_108 = tpu.memref_slice %arg3[%select_n3A, %add3A_35] : memref<4x6144xf32, #tpu.memory_space<hbm>> -> memref<1x256xf32, #tpu.memory_space<hbm>>
      %dma_wait3A_109 = tpu.memref_squeeze %dma_wait3A_108 : memref<1x256xf32, #tpu.memory_space<hbm>> -> memref<256xf32, #tpu.memory_space<hbm>>
      %dma_wait3A_110 = arith.constant 0 : i32
      %dma_wait3A_111 = tpu.memref_slice %arg9[%dma_wait3A_110] : memref<768xf32, #tpu.memory_space<vmem>> -> memref<256xf32, #tpu.memory_space<vmem>>
      %dma_wait3A_112 = tpu.memref_slice %arg3[%select_n3A, %add3A_35] : memref<4x6144xf32, #tpu.memory_space<hbm>> -> memref<1x256xf32, #tpu.memory_space<hbm>>
      %dma_wait3A_113 = tpu.memref_squeeze %dma_wait3A_112 : memref<1x256xf32, #tpu.memory_space<hbm>> -> memref<256xf32, #tpu.memory_space<hbm>>
      tpu.wait_dma2 semaphore(%run_scoped3A : memref<!tpu.dma_semaphore, #tpu.memory_space<semaphore_mem>>) src(%dma_wait3A_113 : memref<256xf32, #tpu.memory_space<hbm>>) dst(%dma_wait3A_111 : memref<256xf32, #tpu.memory_space<vmem>>)
      tpu.yield
    }) : () -> ()
    %add3A_36 = arith.constant 2048 : i32
    %add3A_37 = arith.addi %add3A_36, %mul3A_32 : i32
    "tpu.region"() ({
      %run_scoped3A = tpu.sem_alloc : memref<!tpu.dma_semaphore, #tpu.memory_space<semaphore_mem>>
      %dma_start3A = arith.constant 256 : i32
      %dma_start3A_100 = tpu.memref_slice %arg9[%dma_start3A] : memref<768xf32, #tpu.memory_space<vmem>> -> memref<256xf32, #tpu.memory_space<vmem>>
      %dma_start3A_101 = tpu.memref_slice %arg3[%select_n3A, %add3A_37] : memref<4x6144xf32, #tpu.memory_space<hbm>> -> memref<1x256xf32, #tpu.memory_space<hbm>>
      %dma_start3A_102 = tpu.memref_squeeze %dma_start3A_101 : memref<1x256xf32, #tpu.memory_space<hbm>> -> memref<256xf32, #tpu.memory_space<hbm>>
      %dma_start3A_103 = arith.constant 256 : i32
      %dma_start3A_104 = tpu.memref_slice %arg9[%dma_start3A_103] : memref<768xf32, #tpu.memory_space<vmem>> -> memref<256xf32, #tpu.memory_space<vmem>>
      %dma_start3A_105 = tpu.memref_slice %arg3[%select_n3A, %add3A_37] : memref<4x6144xf32, #tpu.memory_space<hbm>> -> memref<1x256xf32, #tpu.memory_space<hbm>>
      %dma_start3A_106 = tpu.memref_squeeze %dma_start3A_105 : memref<1x256xf32, #tpu.memory_space<hbm>> -> memref<256xf32, #tpu.memory_space<hbm>>
      tpu.enqueue_dma source(%dma_start3A_106 : memref<256xf32, #tpu.memory_space<hbm>>) target(%dma_start3A_104 : memref<256xf32, #tpu.memory_space<vmem>>) target_semaphore(%run_scoped3A : memref<!tpu.dma_semaphore, #tpu.memory_space<semaphore_mem>>)
      %dma_wait3A = arith.constant 256 : i32
      %dma_wait3A_107 = tpu.memref_slice %arg9[%dma_wait3A] : memref<768xf32, #tpu.memory_space<vmem>> -> memref<256xf32, #tpu.memory_space<vmem>>
      %dma_wait3A_108 = tpu.memref_slice %arg3[%select_n3A, %add3A_37] : memref<4x6144xf32, #tpu.memory_space<hbm>> -> memref<1x256xf32, #tpu.memory_space<hbm>>
      %dma_wait3A_109 = tpu.memref_squeeze %dma_wait3A_108 : memref<1x256xf32, #tpu.memory_space<hbm>> -> memref<256xf32, #tpu.memory_space<hbm>>
      %dma_wait3A_110 = arith.constant 256 : i32
      %dma_wait3A_111 = tpu.memref_slice %arg9[%dma_wait3A_110] : memref<768xf32, #tpu.memory_space<vmem>> -> memref<256xf32, #tpu.memory_space<vmem>>
      %dma_wait3A_112 = tpu.memref_slice %arg3[%select_n3A, %add3A_37] : memref<4x6144xf32, #tpu.memory_space<hbm>> -> memref<1x256xf32, #tpu.memory_space<hbm>>
      %dma_wait3A_113 = tpu.memref_squeeze %dma_wait3A_112 : memref<1x256xf32, #tpu.memory_space<hbm>> -> memref<256xf32, #tpu.memory_space<hbm>>
      tpu.wait_dma2 semaphore(%run_scoped3A : memref<!tpu.dma_semaphore, #tpu.memory_space<semaphore_mem>>) src(%dma_wait3A_113 : memref<256xf32, #tpu.memory_space<hbm>>) dst(%dma_wait3A_111 : memref<256xf32, #tpu.memory_space<vmem>>)
      tpu.yield
    }) : () -> ()
    %add3A_38 = arith.constant 4096 : i32
    %add3A_39 = arith.addi %add3A_38, %mul3A_32 : i32
    "tpu.region"() ({
      %run_scoped3A = tpu.sem_alloc : memref<!tpu.dma_semaphore, #tpu.memory_space<semaphore_mem>>
      %dma_start3A = arith.constant 512 : i32
      %dma_start3A_100 = tpu.memref_slice %arg9[%dma_start3A] : memref<768xf32, #tpu.memory_space<vmem>> -> memref<256xf32, #tpu.memory_space<vmem>>
      %dma_start3A_101 = tpu.memref_slice %arg3[%select_n3A, %add3A_39] : memref<4x6144xf32, #tpu.memory_space<hbm>> -> memref<1x256xf32, #tpu.memory_space<hbm>>
      %dma_start3A_102 = tpu.memref_squeeze %dma_start3A_101 : memref<1x256xf32, #tpu.memory_space<hbm>> -> memref<256xf32, #tpu.memory_space<hbm>>
      %dma_start3A_103 = arith.constant 512 : i32
      %dma_start3A_104 = tpu.memref_slice %arg9[%dma_start3A_103] : memref<768xf32, #tpu.memory_space<vmem>> -> memref<256xf32, #tpu.memory_space<vmem>>
      %dma_start3A_105 = tpu.memref_slice %arg3[%select_n3A, %add3A_39] : memref<4x6144xf32, #tpu.memory_space<hbm>> -> memref<1x256xf32, #tpu.memory_space<hbm>>
      %dma_start3A_106 = tpu.memref_squeeze %dma_start3A_105 : memref<1x256xf32, #tpu.memory_space<hbm>> -> memref<256xf32, #tpu.memory_space<hbm>>
      tpu.enqueue_dma source(%dma_start3A_106 : memref<256xf32, #tpu.memory_space<hbm>>) target(%dma_start3A_104 : memref<256xf32, #tpu.memory_space<vmem>>) target_semaphore(%run_scoped3A : memref<!tpu.dma_semaphore, #tpu.memory_space<semaphore_mem>>)
      %dma_wait3A = arith.constant 512 : i32
      %dma_wait3A_107 = tpu.memref_slice %arg9[%dma_wait3A] : memref<768xf32, #tpu.memory_space<vmem>> -> memref<256xf32, #tpu.memory_space<vmem>>
      %dma_wait3A_108 = tpu.memref_slice %arg3[%select_n3A, %add3A_39] : memref<4x6144xf32, #tpu.memory_space<hbm>> -> memref<1x256xf32, #tpu.memory_space<hbm>>
      %dma_wait3A_109 = tpu.memref_squeeze %dma_wait3A_108 : memref<1x256xf32, #tpu.memory_space<hbm>> -> memref<256xf32, #tpu.memory_space<hbm>>
      %dma_wait3A_110 = arith.constant 512 : i32
      %dma_wait3A_111 = tpu.memref_slice %arg9[%dma_wait3A_110] : memref<768xf32, #tpu.memory_space<vmem>> -> memref<256xf32, #tpu.memory_space<vmem>>
      %dma_wait3A_112 = tpu.memref_slice %arg3[%select_n3A, %add3A_39] : memref<4x6144xf32, #tpu.memory_space<hbm>> -> memref<1x256xf32, #tpu.memory_space<hbm>>
      %dma_wait3A_113 = tpu.memref_squeeze %dma_wait3A_112 : memref<1x256xf32, #tpu.memory_space<hbm>> -> memref<256xf32, #tpu.memory_space<hbm>>
      tpu.wait_dma2 semaphore(%run_scoped3A : memref<!tpu.dma_semaphore, #tpu.memory_space<semaphore_mem>>) src(%dma_wait3A_113 : memref<256xf32, #tpu.memory_space<hbm>>) dst(%dma_wait3A_111 : memref<256xf32, #tpu.memory_space<vmem>>)
      tpu.yield
    }) : () -> ()
    %scan3A = arith.constant 0 : i32
    %scan3A_40 = arith.constant 0 : i32
    %scan3A_41 = arith.constant 512 : i32
    %scan3A_42 = arith.addi %scan3A_40, %scan3A_41 : i32
    %scan3A_43 = arith.constant 1 : i32
    %scan3A_44 = scf.for %scan3A_100 = %scan3A_40 to %scan3A_42 step %scan3A_43 iter_args(%scan3A_101 = %scan3A) -> (i32)  : i32 {
      %mul3A_102 = arith.constant 16 : i32
      %mul3A_103 = arith.muli %scan3A_100, %mul3A_102 : i32
      %get3A = arith.index_cast %mul3A_103 : i32 to index
      %get3A_104 = tpu.vector_load %arg6[%get3A] {strides = array<i32>} : memref<24576xf32, #tpu.memory_space<vmem>>, vector<16xf32>,
      %add3A_105 = arith.constant 8192 : i32
      %add3A_106 = arith.addi %add3A_105, %mul3A_103 : i32
      %get3A_107 = arith.index_cast %add3A_106 : i32 to index
      %get3A_108 = tpu.vector_load %arg6[%get3A_107] {strides = array<i32>} : memref<24576xf32, #tpu.memory_space<vmem>>, vector<16xf32>,
      %add3A_109 = arith.constant 16384 : i32
      %add3A_110 = arith.addi %add3A_109, %mul3A_103 : i32
      %get3A_111 = arith.index_cast %add3A_110 : i32 to index
      %get3A_112 = tpu.vector_load %arg6[%get3A_111] {strides = array<i32>} : memref<24576xf32, #tpu.memory_space<vmem>>, vector<16xf32>,
      %bitcast3A = vector.bitcast %get3A_104 : vector<16xf32> to vector<16xi32>
      %add3A_113 = arith.constant 32767 : i32
      %add3A_114 = vector.broadcast %add3A_113 : i32 to vector<16xi32>
      %add3A_115 = arith.addi %bitcast3A, %add3A_114 : vector<16xi32>
      %shift_right_arithmetic3A = arith.constant 16 : i32
      %shift_right_arithmetic3A_116 = vector.broadcast %shift_right_arithmetic3A : i32 to vector<16xi32>
      %shift_right_arithmetic3A_117 = arith.shrsi %bitcast3A, %shift_right_arithmetic3A_116 : vector<16xi32>
      %and3A_118 = arith.constant 1 : i32
      %and3A_119 = vector.broadcast %and3A_118 : i32 to vector<16xi32>
      %and3A_120 = arith.andi %shift_right_arithmetic3A_117, %and3A_119 : vector<16xi32>
      %add3A_121 = arith.addi %add3A_115, %and3A_120 : vector<16xi32>
      %and3A_122 = arith.constant -65536 : i32
      %and3A_123 = vector.broadcast %and3A_122 : i32 to vector<16xi32>
      %and3A_124 = arith.andi %add3A_121, %and3A_123 : vector<16xi32>
      %bitcast3A_125 = vector.bitcast %and3A_124 : vector<16xi32> to vector<16xf32>
      %swap3A = arith.index_cast %mul3A_103 : i32 to index
      %swap3A_126 = tpu.vector_load %arg7[%swap3A] {strides = array<i32>} : memref<24576xf32, #tpu.memory_space<vmem>>, vector<16xf32>,
      tpu.vector_store %arg7[%swap3A], %bitcast3A_125 {strides = array<i32>} : memref<24576xf32, #tpu.memory_space<vmem>>, vector<16xf32>,
      %bitcast3A_127 = vector.bitcast %get3A_108 : vector<16xf32> to vector<16xi32>
      %add3A_128 = arith.constant 32767 : i32
      %add3A_129 = vector.broadcast %add3A_128 : i32 to vector<16xi32>
      %add3A_130 = arith.addi %bitcast3A_127, %add3A_129 : vector<16xi32>
      %shift_right_arithmetic3A_131 = arith.constant 16 : i32
      %shift_right_arithmetic3A_132 = vector.broadcast %shift_right_arithmetic3A_131 : i32 to vector<16xi32>
      %shift_right_arithmetic3A_133 = arith.shrsi %bitcast3A_127, %shift_right_arithmetic3A_132 : vector<16xi32>
      %and3A_134 = arith.constant 1 : i32
      %and3A_135 = vector.broadcast %and3A_134 : i32 to vector<16xi32>
      %and3A_136 = arith.andi %shift_right_arithmetic3A_133, %and3A_135 : vector<16xi32>
      %add3A_137 = arith.addi %add3A_130, %and3A_136 : vector<16xi32>
      %and3A_138 = arith.constant -65536 : i32
      %and3A_139 = vector.broadcast %and3A_138 : i32 to vector<16xi32>
      %and3A_140 = arith.andi %add3A_137, %and3A_139 : vector<16xi32>
      %bitcast3A_141 = vector.bitcast %and3A_140 : vector<16xi32> to vector<16xf32>
      %add3A_142 = arith.constant 8192 : i32
      %add3A_143 = arith.addi %add3A_142, %mul3A_103 : i32
      %swap3A_144 = arith.index_cast %add3A_143 : i32 to index
      %swap3A_145 = tpu.vector_load %arg7[%swap3A_144] {strides = array<i32>} : memref<24576xf32, #tpu.memory_space<vmem>>, vector<16xf32>,
      tpu.vector_store %arg7[%swap3A_144], %bitcast3A_141 {strides = array<i32>} : memref<24576xf32, #tpu.memory_space<vmem>>, vector<16xf32>,
      %bitcast3A_146 = vector.bitcast %get3A_112 : vector<16xf32> to vector<16xi32>
      %add3A_147 = arith.constant 32767 : i32
      %add3A_148 = vector.broadcast %add3A_147 : i32 to vector<16xi32>
      %add3A_149 = arith.addi %bitcast3A_146, %add3A_148 : vector<16xi32>
      %shift_right_arithmetic3A_150 = arith.constant 16 : i32
      %shift_right_arithmetic3A_151 = vector.broadcast %shift_right_arithmetic3A_150 : i32 to vector<16xi32>
      %shift_right_arithmetic3A_152 = arith.shrsi %bitcast3A_146, %shift_right_arithmetic3A_151 : vector<16xi32>
      %and3A_153 = arith.constant 1 : i32
      %and3A_154 = vector.broadcast %and3A_153 : i32 to vector<16xi32>
      %and3A_155 = arith.andi %shift_right_arithmetic3A_152, %and3A_154 : vector<16xi32>
      %add3A_156 = arith.addi %add3A_149, %and3A_155 : vector<16xi32>
      %and3A_157 = arith.constant -65536 : i32
      %and3A_158 = vector.broadcast %and3A_157 : i32 to vector<16xi32>
      %and3A_159 = arith.andi %add3A_156, %and3A_158 : vector<16xi32>
      %bitcast3A_160 = vector.bitcast %and3A_159 : vector<16xi32> to vector<16xf32>
      %add3A_161 = arith.constant 16384 : i32
      %add3A_162 = arith.addi %add3A_161, %mul3A_103 : i32
      %swap3A_163 = arith.index_cast %add3A_162 : i32 to index
      %swap3A_164 = tpu.vector_load %arg7[%swap3A_163] {strides = array<i32>} : memref<24576xf32, #tpu.memory_space<vmem>>, vector<16xf32>,
      tpu.vector_store %arg7[%swap3A_163], %bitcast3A_160 {strides = array<i32>} : memref<24576xf32, #tpu.memory_space<vmem>>, vector<16xf32>,
      %mul3A_165 = arith.mulf %get3A_104, %get3A_104 : vector<16xf32>
      %mul3A_166 = arith.mulf %get3A_108, %get3A_108 : vector<16xf32>
      %add3A_167 = arith.addf %mul3A_165, %mul3A_166 : vector<16xf32>
      %mul3A_168 = arith.mulf %get3A_112, %get3A_112 : vector<16xf32>
      %add3A_169 = arith.addf %add3A_167, %mul3A_168 : vector<16xf32>
      %swap3A_170 = arith.index_cast %mul3A_103 : i32 to index
      %swap3A_171 = tpu.vector_load %arg8[%swap3A_170] {strides = array<i32>} : memref<8192xf32, #tpu.memory_space<vmem>>, vector<16xf32>,
      tpu.vector_store %arg8[%swap3A_170], %add3A_169 {strides = array<i32>} : memref<8192xf32, #tpu.memory_space<vmem>>, vector<16xf32>,
      %scan3A_172 = arith.constant 0 : i32
      scf.yield %scan3A_172 : i32
    }
    %scan3A_45 = arith.constant 512 : i32
    %scan3A_46 = arith.constant 0 : i32
    %scan3A_47 = arith.constant 0 : i32
    %scan3A_48 = arith.constant 512 : i32
    %scan3A_49 = arith.addi %scan3A_47, %scan3A_48 : i32
    %scan3A_50 = arith.constant 1 : i32
    %scan3A_51 = scf.for %scan3A_100 = %scan3A_47 to %scan3A_49 step %scan3A_50 iter_args(%scan3A_101 = %scan3A_46) -> (i32)  : i32 {
      %mul3A_102 = arith.constant 16 : i32
      %mul3A_103 = arith.muli %scan3A_100, %mul3A_102 : i32
      %broadcast_in_dim3A_104 = vector.broadcast %mul3A_103 : i32 to vector<16xi32>
      %add3A_105 = arith.addi %broadcast_in_dim3A_104, %iota3A : vector<16xi32>
      %shift_right_arithmetic3A = arith.constant 5 : i32
      %shift_right_arithmetic3A_106 = vector.broadcast %shift_right_arithmetic3A : i32 to vector<16xi32>
      %shift_right_arithmetic3A_107 = arith.shrsi %add3A_105, %shift_right_arithmetic3A_106 : vector<16xi32>
      %swap3A = arith.index_cast %mul3A_103 : i32 to index
      %swap3A_108 = tpu.vector_load %arg11[%swap3A] {strides = array<i32>} : memref<8192xi32, #tpu.memory_space<vmem>>, vector<16xi32>,
      tpu.vector_store %arg11[%swap3A], %shift_right_arithmetic3A_107 {strides = array<i32>} : memref<8192xi32, #tpu.memory_space<vmem>>, vector<16xi32>,
      %scan3A_109 = arith.constant 0 : i32
      scf.yield %scan3A_109 : i32
    }
    %scan3A_52 = arith.constant 512 : i32
    %scan3A_53 = arith.constant 0 : i32
    %scan3A_54 = arith.constant 0 : i32
    %scan3A_55 = arith.constant 256 : i32
    %scan3A_56 = arith.addi %scan3A_54, %scan3A_55 : i32
    %scan3A_57 = arith.constant 1 : i32
    %scan3A_58 = scf.for %scan3A_100 = %scan3A_54 to %scan3A_56 step %scan3A_57 iter_args(%scan3A_101 = %scan3A_53) -> (i32)  : i32 {
      %broadcast_in_dim3A_102 = vector.broadcast %scan3A_100 : i32 to vector<16xi32>
      %gather3A = tpu.vector_load_idx %arg9[%broadcast_in_dim3A_102] : memref<768xf32, #tpu.memory_space<vmem>>[vector<16xi32>], vector<16xf32>,
      %add3A_103 = arith.constant 256 : i32
      %add3A_104 = vector.broadcast %add3A_103 : i32 to vector<16xi32>
      %add3A_105 = arith.addi %broadcast_in_dim3A_102, %add3A_104 : vector<16xi32>
      %gather3A_106 = tpu.vector_load_idx %arg9[%add3A_105] : memref<768xf32, #tpu.memory_space<vmem>>[vector<16xi32>], vector<16xf32>,
      %add3A_107 = arith.constant 512 : i32
      %add3A_108 = vector.broadcast %add3A_107 : i32 to vector<16xi32>
      %add3A_109 = arith.addi %broadcast_in_dim3A_102, %add3A_108 : vector<16xi32>
      %gather3A_110 = tpu.vector_load_idx %arg9[%add3A_109] : memref<768xf32, #tpu.memory_space<vmem>>[vector<16xi32>], vector<16xf32>,
      %bitcast3A = vector.bitcast %gather3A : vector<16xf32> to vector<16xi32>
      %add3A_111 = arith.constant 32767 : i32
      %add3A_112 = vector.broadcast %add3A_111 : i32 to vector<16xi32>
      %add3A_113 = arith.addi %bitcast3A, %add3A_112 : vector<16xi32>
      %shift_right_arithmetic3A = arith.constant 16 : i32
      %shift_right_arithmetic3A_114 = vector.broadcast %shift_right_arithmetic3A : i32 to vector<16xi32>
      %shift_right_arithmetic3A_115 = arith.shrsi %bitcast3A, %shift_right_arithmetic3A_114 : vector<16xi32>
      %and3A_116 = arith.constant 1 : i32
      %and3A_117 = vector.broadcast %and3A_116 : i32 to vector<16xi32>
      %and3A_118 = arith.andi %shift_right_arithmetic3A_115, %and3A_117 : vector<16xi32>
      %add3A_119 = arith.addi %add3A_113, %and3A_118 : vector<16xi32>
      %and3A_120 = arith.constant -65536 : i32
      %and3A_121 = vector.broadcast %and3A_120 : i32 to vector<16xi32>
      %and3A_122 = arith.andi %add3A_119, %and3A_121 : vector<16xi32>
      %bitcast3A_123 = vector.bitcast %and3A_122 : vector<16xi32> to vector<16xf32>
      %bitcast3A_124 = vector.bitcast %gather3A_106 : vector<16xf32> to vector<16xi32>
      %add3A_125 = arith.constant 32767 : i32
      %add3A_126 = vector.broadcast %add3A_125 : i32 to vector<16xi32>
      %add3A_127 = arith.addi %bitcast3A_124, %add3A_126 : vector<16xi32>
      %shift_right_arithmetic3A_128 = arith.constant 16 : i32
      %shift_right_arithmetic3A_129 = vector.broadcast %shift_right_arithmetic3A_128 : i32 to vector<16xi32>
      %shift_right_arithmetic3A_130 = arith.shrsi %bitcast3A_124, %shift_right_arithmetic3A_129 : vector<16xi32>
      %and3A_131 = arith.constant 1 : i32
      %and3A_132 = vector.broadcast %and3A_131 : i32 to vector<16xi32>
      %and3A_133 = arith.andi %shift_right_arithmetic3A_130, %and3A_132 : vector<16xi32>
      %add3A_134 = arith.addi %add3A_127, %and3A_133 : vector<16xi32>
      %and3A_135 = arith.constant -65536 : i32
      %and3A_136 = vector.broadcast %and3A_135 : i32 to vector<16xi32>
      %and3A_137 = arith.andi %add3A_134, %and3A_136 : vector<16xi32>
      %bitcast3A_138 = vector.bitcast %and3A_137 : vector<16xi32> to vector<16xf32>
      %bitcast3A_139 = vector.bitcast %gather3A_110 : vector<16xf32> to vector<16xi32>
      %add3A_140 = arith.constant 32767 : i32
      %add3A_141 = vector.broadcast %add3A_140 : i32 to vector<16xi32>
      %add3A_142 = arith.addi %bitcast3A_139, %add3A_141 : vector<16xi32>
      %shift_right_arithmetic3A_143 = arith.constant 16 : i32
      %shift_right_arithmetic3A_144 = vector.broadcast %shift_right_arithmetic3A_143 : i32 to vector<16xi32>
      %shift_right_arithmetic3A_145 = arith.shrsi %bitcast3A_139, %shift_right_arithmetic3A_144 : vector<16xi32>
      %and3A_146 = arith.constant 1 : i32
      %and3A_147 = vector.broadcast %and3A_146 : i32 to vector<16xi32>
      %and3A_148 = arith.andi %shift_right_arithmetic3A_145, %and3A_147 : vector<16xi32>
      %add3A_149 = arith.addi %add3A_142, %and3A_148 : vector<16xi32>
      %and3A_150 = arith.constant -65536 : i32
      %and3A_151 = vector.broadcast %and3A_150 : i32 to vector<16xi32>
      %and3A_152 = arith.andi %add3A_149, %and3A_151 : vector<16xi32>
      %bitcast3A_153 = vector.bitcast %and3A_152 : vector<16xi32> to vector<16xf32>
      %mul3A_154 = arith.mulf %gather3A, %gather3A : vector<16xf32>
      %mul3A_155 = arith.mulf %gather3A_106, %gather3A_106 : vector<16xf32>
      %add3A_156 = arith.addf %mul3A_154, %mul3A_155 : vector<16xf32>
      %mul3A_157 = arith.mulf %gather3A_110, %gather3A_110 : vector<16xf32>
      %add3A_158 = arith.addf %add3A_156, %mul3A_157 : vector<16xf32>
      %mul3A_159 = arith.constant 32 : i32
      %mul3A_160 = arith.muli %scan3A_100, %mul3A_159 : i32
      %broadcast_in_dim3A_161 = vector.broadcast %mul3A_160 : i32 to vector<16xi32>
      %while3A = arith.constant 0 : i32
      %while3A_162 = arith.constant 0 : i32
      %while3A_163:3 = scf.while (%while3A_195 = %while3A, %while3A_196 = %broadcast_in_dim3A_33, %while3A_197 = %while3A_162) : (i32, vector<16xi32>, i32) -> (i32, vector<16xi32>, i32) {
        %lt3A_198 = arith.constant 32 : i32
        %lt3A_199 = arith.cmpi slt, %while3A_197, %lt3A_198 : i32
        %lt3A_200 = arith.constant 8192 : i32
        %lt3A_201 = arith.cmpi slt, %while3A_195, %lt3A_200 : i32
        %and3A_202 = arith.andi %lt3A_199, %lt3A_201 : i1
        scf.condition(%and3A_202) %while3A_195, %while3A_196, %while3A_197 : i32, vector<16xi32>, i32
      } do {
      ^bb0(%while3A_195: i32, %while3A_196: vector<16xi32>, %while3A_197: i32):
        %add3A_198 = arith.constant 0 : i32
        %add3A_199 = arith.addi %while3A_195, %add3A_198 : i32
        %get3A_200 = arith.index_cast %add3A_199 : i32 to index
        %get3A_201 = tpu.vector_load %arg7[%get3A_200] {strides = array<i32>} : memref<24576xf32, #tpu.memory_space<vmem>>, vector<16xf32>,
        %add3A_202 = arith.constant 8192 : i32
        %add3A_203 = arith.addi %add3A_202, %add3A_199 : i32
        %get3A_204 = arith.index_cast %add3A_203 : i32 to index
        %get3A_205 = tpu.vector_load %arg7[%get3A_204] {strides = array<i32>} : memref<24576xf32, #tpu.memory_space<vmem>>, vector<16xf32>,
        %add3A_206 = arith.constant 16384 : i32
        %add3A_207 = arith.addi %add3A_206, %add3A_199 : i32
        %get3A_208 = arith.index_cast %add3A_207 : i32 to index
        %get3A_209 = tpu.vector_load %arg7[%get3A_208] {strides = array<i32>} : memref<24576xf32, #tpu.memory_space<vmem>>, vector<16xf32>,
        %get3A_210 = arith.index_cast %add3A_199 : i32 to index
        %get3A_211 = tpu.vector_load %arg8[%get3A_210] {strides = array<i32>} : memref<8192xf32, #tpu.memory_space<vmem>>, vector<16xf32>,
        %add3A_212 = arith.constant 16 : i32
        %add3A_213 = arith.addi %while3A_195, %add3A_212 : i32
        %get3A_214 = arith.index_cast %add3A_213 : i32 to index
        %get3A_215 = tpu.vector_load %arg7[%get3A_214] {strides = array<i32>} : memref<24576xf32, #tpu.memory_space<vmem>>, vector<16xf32>,
        %add3A_216 = arith.constant 8192 : i32
        %add3A_217 = arith.addi %add3A_216, %add3A_213 : i32
        %get3A_218 = arith.index_cast %add3A_217 : i32 to index
        %get3A_219 = tpu.vector_load %arg7[%get3A_218] {strides = array<i32>} : memref<24576xf32, #tpu.memory_space<vmem>>, vector<16xf32>,
        %add3A_220 = arith.constant 16384 : i32
        %add3A_221 = arith.addi %add3A_220, %add3A_213 : i32
        %get3A_222 = arith.index_cast %add3A_221 : i32 to index
        %get3A_223 = tpu.vector_load %arg7[%get3A_222] {strides = array<i32>} : memref<24576xf32, #tpu.memory_space<vmem>>, vector<16xf32>,
        %get3A_224 = arith.index_cast %add3A_213 : i32 to index
        %get3A_225 = tpu.vector_load %arg8[%get3A_224] {strides = array<i32>} : memref<8192xf32, #tpu.memory_space<vmem>>, vector<16xf32>,
        %add3A_226 = arith.constant 32 : i32
        %add3A_227 = arith.addi %while3A_195, %add3A_226 : i32
        %get3A_228 = arith.index_cast %add3A_227 : i32 to index
        %get3A_229 = tpu.vector_load %arg7[%get3A_228] {strides = array<i32>} : memref<24576xf32, #tpu.memory_space<vmem>>, vector<16xf32>,
        %add3A_230 = arith.constant 8192 : i32
        %add3A_231 = arith.addi %add3A_230, %add3A_227 : i32
        %get3A_232 = arith.index_cast %add3A_231 : i32 to index
        %get3A_233 = tpu.vector_load %arg7[%get3A_232] {strides = array<i32>} : memref<24576xf32, #tpu.memory_space<vmem>>, vector<16xf32>,
        %add3A_234 = arith.constant 16384 : i32
        %add3A_235 = arith.addi %add3A_234, %add3A_227 : i32
        %get3A_236 = arith.index_cast %add3A_235 : i32 to index
        %get3A_237 = tpu.vector_load %arg7[%get3A_236] {strides = array<i32>} : memref<24576xf32, #tpu.memory_space<vmem>>, vector<16xf32>,
        %get3A_238 = arith.index_cast %add3A_227 : i32 to index
        %get3A_239 = tpu.vector_load %arg8[%get3A_238] {strides = array<i32>} : memref<8192xf32, #tpu.memory_space<vmem>>, vector<16xf32>,
        %add3A_240 = arith.constant 48 : i32
        %add3A_241 = arith.addi %while3A_195, %add3A_240 : i32
        %get3A_242 = arith.index_cast %add3A_241 : i32 to index
        %get3A_243 = tpu.vector_load %arg7[%get3A_242] {strides = array<i32>} : memref<24576xf32, #tpu.memory_space<vmem>>, vector<16xf32>,
        %add3A_244 = arith.constant 8192 : i32
        %add3A_245 = arith.addi %add3A_244, %add3A_241 : i32
        %get3A_246 = arith.index_cast %add3A_245 : i32 to index
        %get3A_247 = tpu.vector_load %arg7[%get3A_246] {strides = array<i32>} : memref<24576xf32, #tpu.memory_space<vmem>>, vector<16xf32>,
        %add3A_248 = arith.constant 16384 : i32
        %add3A_249 = arith.addi %add3A_248, %add3A_241 : i32
        %get3A_250 = arith.index_cast %add3A_249 : i32 to index
        %get3A_251 = tpu.vector_load %arg7[%get3A_250] {strides = array<i32>} : memref<24576xf32, #tpu.memory_space<vmem>>, vector<16xf32>,
        %get3A_252 = arith.index_cast %add3A_241 : i32 to index
        %get3A_253 = tpu.vector_load %arg8[%get3A_252] {strides = array<i32>} : memref<8192xf32, #tpu.memory_space<vmem>>, vector<16xf32>,
        %add3A_254 = arith.constant 64 : i32
        %add3A_255 = arith.addi %while3A_195, %add3A_254 : i32
        %get3A_256 = arith.index_cast %add3A_255 : i32 to index
        %get3A_257 = tpu.vector_load %arg7[%get3A_256] {strides = array<i32>} : memref<24576xf32, #tpu.memory_space<vmem>>, vector<16xf32>,
        %add3A_258 = arith.constant 8192 : i32
        %add3A_259 = arith.addi %add3A_258, %add3A_255 : i32
        %get3A_260 = arith.index_cast %add3A_259 : i32 to index
        %get3A_261 = tpu.vector_load %arg7[%get3A_260] {strides = array<i32>} : memref<24576xf32, #tpu.memory_space<vmem>>, vector<16xf32>,
        %add3A_262 = arith.constant 16384 : i32
        %add3A_263 = arith.addi %add3A_262, %add3A_255 : i32
        %get3A_264 = arith.index_cast %add3A_263 : i32 to index
        %get3A_265 = tpu.vector_load %arg7[%get3A_264] {strides = array<i32>} : memref<24576xf32, #tpu.memory_space<vmem>>, vector<16xf32>,
        %get3A_266 = arith.index_cast %add3A_255 : i32 to index
        %get3A_267 = tpu.vector_load %arg8[%get3A_266] {strides = array<i32>} : memref<8192xf32, #tpu.memory_space<vmem>>, vector<16xf32>,
        %add3A_268 = arith.constant 80 : i32
        %add3A_269 = arith.addi %while3A_195, %add3A_268 : i32
        %get3A_270 = arith.index_cast %add3A_269 : i32 to index
        %get3A_271 = tpu.vector_load %arg7[%get3A_270] {strides = array<i32>} : memref<24576xf32, #tpu.memory_space<vmem>>, vector<16xf32>,
        %add3A_272 = arith.constant 8192 : i32
        %add3A_273 = arith.addi %add3A_272, %add3A_269 : i32
        %get3A_274 = arith.index_cast %add3A_273 : i32 to index
        %get3A_275 = tpu.vector_load %arg7[%get3A_274] {strides = array<i32>} : memref<24576xf32, #tpu.memory_space<vmem>>, vector<16xf32>,
        %add3A_276 = arith.constant 16384 : i32
        %add3A_277 = arith.addi %add3A_276, %add3A_269 : i32
        %get3A_278 = arith.index_cast %add3A_277 : i32 to index
        %get3A_279 = tpu.vector_load %arg7[%get3A_278] {strides = array<i32>} : memref<24576xf32, #tpu.memory_space<vmem>>, vector<16xf32>,
        %get3A_280 = arith.index_cast %add3A_269 : i32 to index
        %get3A_281 = tpu.vector_load %arg8[%get3A_280] {strides = array<i32>} : memref<8192xf32, #tpu.memory_space<vmem>>, vector<16xf32>,
        %add3A_282 = arith.constant 96 : i32
        %add3A_283 = arith.addi %while3A_195, %add3A_282 : i32
        %get3A_284 = arith.index_cast %add3A_283 : i32 to index
        %get3A_285 = tpu.vector_load %arg7[%get3A_284] {strides = array<i32>} : memref<24576xf32, #tpu.memory_space<vmem>>, vector<16xf32>,
        %add3A_286 = arith.constant 8192 : i32
        %add3A_287 = arith.addi %add3A_286, %add3A_283 : i32
        %get3A_288 = arith.index_cast %add3A_287 : i32 to index
        %get3A_289 = tpu.vector_load %arg7[%get3A_288] {strides = array<i32>} : memref<24576xf32, #tpu.memory_space<vmem>>, vector<16xf32>,
        %add3A_290 = arith.constant 16384 : i32
        %add3A_291 = arith.addi %add3A_290, %add3A_283 : i32
        %get3A_292 = arith.index_cast %add3A_291 : i32 to index
        %get3A_293 = tpu.vector_load %arg7[%get3A_292] {strides = array<i32>} : memref<24576xf32, #tpu.memory_space<vmem>>, vector<16xf32>,
        %get3A_294 = arith.index_cast %add3A_283 : i32 to index
        %get3A_295 = tpu.vector_load %arg8[%get3A_294] {strides = array<i32>} : memref<8192xf32, #tpu.memory_space<vmem>>, vector<16xf32>,
        %add3A_296 = arith.constant 112 : i32
        %add3A_297 = arith.addi %while3A_195, %add3A_296 : i32
        %get3A_298 = arith.index_cast %add3A_297 : i32 to index
        %get3A_299 = tpu.vector_load %arg7[%get3A_298] {strides = array<i32>} : memref<24576xf32, #tpu.memory_space<vmem>>, vector<16xf32>,
        %add3A_300 = arith.constant 8192 : i32
        %add3A_301 = arith.addi %add3A_300, %add3A_297 : i32
        %get3A_302 = arith.index_cast %add3A_301 : i32 to index
        %get3A_303 = tpu.vector_load %arg7[%get3A_302] {strides = array<i32>} : memref<24576xf32, #tpu.memory_space<vmem>>, vector<16xf32>,
        %add3A_304 = arith.constant 16384 : i32
        %add3A_305 = arith.addi %add3A_304, %add3A_297 : i32
        %get3A_306 = arith.index_cast %add3A_305 : i32 to index
        %get3A_307 = tpu.vector_load %arg7[%get3A_306] {strides = array<i32>} : memref<24576xf32, #tpu.memory_space<vmem>>, vector<16xf32>,
        %get3A_308 = arith.index_cast %add3A_297 : i32 to index
        %get3A_309 = tpu.vector_load %arg8[%get3A_308] {strides = array<i32>} : memref<8192xf32, #tpu.memory_space<vmem>>, vector<16xf32>,
        %mul3A_310 = arith.mulf %bitcast3A_123, %get3A_201 : vector<16xf32>
        %mul3A_311 = arith.mulf %bitcast3A_138, %get3A_205 : vector<16xf32>
        %mul3A_312 = arith.mulf %bitcast3A_153, %get3A_209 : vector<16xf32>
        %add3A_313 = arith.addf %mul3A_310, %mul3A_311 : vector<16xf32>
        %sub3A_314 = arith.subf %add3A_313, %mul3A_310 : vector<16xf32>
        %sub3A_315 = arith.subf %add3A_313, %sub3A_314 : vector<16xf32>
        %sub3A_316 = arith.subf %mul3A_310, %sub3A_315 : vector<16xf32>
        %sub3A_317 = arith.subf %mul3A_311, %sub3A_314 : vector<16xf32>
        %add3A_318 = arith.addf %sub3A_316, %sub3A_317 : vector<16xf32>
        %add3A_319 = arith.addf %add3A_313, %mul3A_312 : vector<16xf32>
        %sub3A_320 = arith.subf %add3A_319, %add3A_313 : vector<16xf32>
        %sub3A_321 = arith.subf %add3A_319, %sub3A_320 : vector<16xf32>
        %sub3A_322 = arith.subf %add3A_313, %sub3A_321 : vector<16xf32>
        %sub3A_323 = arith.subf %mul3A_312, %sub3A_320 : vector<16xf32>
        %add3A_324 = arith.addf %sub3A_322, %sub3A_323 : vector<16xf32>
        %add3A_325 = arith.addf %add3A_318, %add3A_324 : vector<16xf32>
        %add3A_326 = arith.addf %add3A_319, %add3A_325 : vector<16xf32>
        %add3A_327 = arith.addf %add3A_158, %get3A_211 : vector<16xf32>
        %mul3A_328 = arith.constant 2.000000e+00 : f32
        %mul3A_329 = vector.broadcast %mul3A_328 : f32 to vector<16xf32>
        %mul3A_330 = arith.mulf %mul3A_329, %add3A_326 : vector<16xf32>
        %sub3A_331 = arith.subf %add3A_327, %mul3A_330 : vector<16xf32>
        %lt3A_332 = arith.constant 4.000000e-02 : f32
        %lt3A_333 = vector.broadcast %lt3A_332 : f32 to vector<16xf32>
        %lt3A_334 = arith.cmpf olt, %sub3A_331, %lt3A_333 : vector<16xf32>
        %mul3A_335 = arith.mulf %bitcast3A_123, %get3A_215 : vector<16xf32>
        %mul3A_336 = arith.mulf %bitcast3A_138, %get3A_219 : vector<16xf32>
        %mul3A_337 = arith.mulf %bitcast3A_153, %get3A_223 : vector<16xf32>
        %add3A_338 = arith.addf %mul3A_335, %mul3A_336 : vector<16xf32>
        %sub3A_339 = arith.subf %add3A_338, %mul3A_335 : vector<16xf32>
        %sub3A_340 = arith.subf %add3A_338, %sub3A_339 : vector<16xf32>
        %sub3A_341 = arith.subf %mul3A_335, %sub3A_340 : vector<16xf32>
        %sub3A_342 = arith.subf %mul3A_336, %sub3A_339 : vector<16xf32>
        %add3A_343 = arith.addf %sub3A_341, %sub3A_342 : vector<16xf32>
        %add3A_344 = arith.addf %add3A_338, %mul3A_337 : vector<16xf32>
        %sub3A_345 = arith.subf %add3A_344, %add3A_338 : vector<16xf32>
        %sub3A_346 = arith.subf %add3A_344, %sub3A_345 : vector<16xf32>
        %sub3A_347 = arith.subf %add3A_338, %sub3A_346 : vector<16xf32>
        %sub3A_348 = arith.subf %mul3A_337, %sub3A_345 : vector<16xf32>
        %add3A_349 = arith.addf %sub3A_347, %sub3A_348 : vector<16xf32>
        %add3A_350 = arith.addf %add3A_343, %add3A_349 : vector<16xf32>
        %add3A_351 = arith.addf %add3A_344, %add3A_350 : vector<16xf32>
        %add3A_352 = arith.addf %add3A_158, %get3A_225 : vector<16xf32>
        %mul3A_353 = arith.constant 2.000000e+00 : f32
        %mul3A_354 = vector.broadcast %mul3A_353 : f32 to vector<16xf32>
        %mul3A_355 = arith.mulf %mul3A_354, %add3A_351 : vector<16xf32>
        %sub3A_356 = arith.subf %add3A_352, %mul3A_355 : vector<16xf32>
        %lt3A_357 = arith.constant 4.000000e-02 : f32
        %lt3A_358 = vector.broadcast %lt3A_357 : f32 to vector<16xf32>
        %lt3A_359 = arith.cmpf olt, %sub3A_356, %lt3A_358 : vector<16xf32>
        %mul3A_360 = arith.mulf %bitcast3A_123, %get3A_229 : vector<16xf32>
        %mul3A_361 = arith.mulf %bitcast3A_138, %get3A_233 : vector<16xf32>
        %mul3A_362 = arith.mulf %bitcast3A_153, %get3A_237 : vector<16xf32>
        %add3A_363 = arith.addf %mul3A_360, %mul3A_361 : vector<16xf32>
        %sub3A_364 = arith.subf %add3A_363, %mul3A_360 : vector<16xf32>
        %sub3A_365 = arith.subf %add3A_363, %sub3A_364 : vector<16xf32>
        %sub3A_366 = arith.subf %mul3A_360, %sub3A_365 : vector<16xf32>
        %sub3A_367 = arith.subf %mul3A_361, %sub3A_364 : vector<16xf32>
        %add3A_368 = arith.addf %sub3A_366, %sub3A_367 : vector<16xf32>
        %add3A_369 = arith.addf %add3A_363, %mul3A_362 : vector<16xf32>
        %sub3A_370 = arith.subf %add3A_369, %add3A_363 : vector<16xf32>
        %sub3A_371 = arith.subf %add3A_369, %sub3A_370 : vector<16xf32>
        %sub3A_372 = arith.subf %add3A_363, %sub3A_371 : vector<16xf32>
        %sub3A_373 = arith.subf %mul3A_362, %sub3A_370 : vector<16xf32>
        %add3A_374 = arith.addf %sub3A_372, %sub3A_373 : vector<16xf32>
        %add3A_375 = arith.addf %add3A_368, %add3A_374 : vector<16xf32>
        %add3A_376 = arith.addf %add3A_369, %add3A_375 : vector<16xf32>
        %add3A_377 = arith.addf %add3A_158, %get3A_239 : vector<16xf32>
        %mul3A_378 = arith.constant 2.000000e+00 : f32
        %mul3A_379 = vector.broadcast %mul3A_378 : f32 to vector<16xf32>
        %mul3A_380 = arith.mulf %mul3A_379, %add3A_376 : vector<16xf32>
        %sub3A_381 = arith.subf %add3A_377, %mul3A_380 : vector<16xf32>
        %lt3A_382 = arith.constant 4.000000e-02 : f32
        %lt3A_383 = vector.broadcast %lt3A_382 : f32 to vector<16xf32>
        %lt3A_384 = arith.cmpf olt, %sub3A_381, %lt3A_383 : vector<16xf32>
        %mul3A_385 = arith.mulf %bitcast3A_123, %get3A_243 : vector<16xf32>
        %mul3A_386 = arith.mulf %bitcast3A_138, %get3A_247 : vector<16xf32>
        %mul3A_387 = arith.mulf %bitcast3A_153, %get3A_251 : vector<16xf32>
        %add3A_388 = arith.addf %mul3A_385, %mul3A_386 : vector<16xf32>
        %sub3A_389 = arith.subf %add3A_388, %mul3A_385 : vector<16xf32>
        %sub3A_390 = arith.subf %add3A_388, %sub3A_389 : vector<16xf32>
        %sub3A_391 = arith.subf %mul3A_385, %sub3A_390 : vector<16xf32>
        %sub3A_392 = arith.subf %mul3A_386, %sub3A_389 : vector<16xf32>
        %add3A_393 = arith.addf %sub3A_391, %sub3A_392 : vector<16xf32>
        %add3A_394 = arith.addf %add3A_388, %mul3A_387 : vector<16xf32>
        %sub3A_395 = arith.subf %add3A_394, %add3A_388 : vector<16xf32>
        %sub3A_396 = arith.subf %add3A_394, %sub3A_395 : vector<16xf32>
        %sub3A_397 = arith.subf %add3A_388, %sub3A_396 : vector<16xf32>
        %sub3A_398 = arith.subf %mul3A_387, %sub3A_395 : vector<16xf32>
        %add3A_399 = arith.addf %sub3A_397, %sub3A_398 : vector<16xf32>
        %add3A_400 = arith.addf %add3A_393, %add3A_399 : vector<16xf32>
        %add3A_401 = arith.addf %add3A_394, %add3A_400 : vector<16xf32>
        %add3A_402 = arith.addf %add3A_158, %get3A_253 : vector<16xf32>
        %mul3A_403 = arith.constant 2.000000e+00 : f32
        %mul3A_404 = vector.broadcast %mul3A_403 : f32 to vector<16xf32>
        %mul3A_405 = arith.mulf %mul3A_404, %add3A_401 : vector<16xf32>
        %sub3A_406 = arith.subf %add3A_402, %mul3A_405 : vector<16xf32>
        %lt3A_407 = arith.constant 4.000000e-02 : f32
        %lt3A_408 = vector.broadcast %lt3A_407 : f32 to vector<16xf32>
        %lt3A_409 = arith.cmpf olt, %sub3A_406, %lt3A_408 : vector<16xf32>
        %mul3A_410 = arith.mulf %bitcast3A_123, %get3A_257 : vector<16xf32>
        %mul3A_411 = arith.mulf %bitcast3A_138, %get3A_261 : vector<16xf32>
        %mul3A_412 = arith.mulf %bitcast3A_153, %get3A_265 : vector<16xf32>
        %add3A_413 = arith.addf %mul3A_410, %mul3A_411 : vector<16xf32>
        %sub3A_414 = arith.subf %add3A_413, %mul3A_410 : vector<16xf32>
        %sub3A_415 = arith.subf %add3A_413, %sub3A_414 : vector<16xf32>
        %sub3A_416 = arith.subf %mul3A_410, %sub3A_415 : vector<16xf32>
        %sub3A_417 = arith.subf %mul3A_411, %sub3A_414 : vector<16xf32>
        %add3A_418 = arith.addf %sub3A_416, %sub3A_417 : vector<16xf32>
        %add3A_419 = arith.addf %add3A_413, %mul3A_412 : vector<16xf32>
        %sub3A_420 = arith.subf %add3A_419, %add3A_413 : vector<16xf32>
        %sub3A_421 = arith.subf %add3A_419, %sub3A_420 : vector<16xf32>
        %sub3A_422 = arith.subf %add3A_413, %sub3A_421 : vector<16xf32>
        %sub3A_423 = arith.subf %mul3A_412, %sub3A_420 : vector<16xf32>
        %add3A_424 = arith.addf %sub3A_422, %sub3A_423 : vector<16xf32>
        %add3A_425 = arith.addf %add3A_418, %add3A_424 : vector<16xf32>
        %add3A_426 = arith.addf %add3A_419, %add3A_425 : vector<16xf32>
        %add3A_427 = arith.addf %add3A_158, %get3A_267 : vector<16xf32>
        %mul3A_428 = arith.constant 2.000000e+00 : f32
        %mul3A_429 = vector.broadcast %mul3A_428 : f32 to vector<16xf32>
        %mul3A_430 = arith.mulf %mul3A_429, %add3A_426 : vector<16xf32>
        %sub3A_431 = arith.subf %add3A_427, %mul3A_430 : vector<16xf32>
        %lt3A_432 = arith.constant 4.000000e-02 : f32
        %lt3A_433 = vector.broadcast %lt3A_432 : f32 to vector<16xf32>
        %lt3A_434 = arith.cmpf olt, %sub3A_431, %lt3A_433 : vector<16xf32>
        %mul3A_435 = arith.mulf %bitcast3A_123, %get3A_271 : vector<16xf32>
        %mul3A_436 = arith.mulf %bitcast3A_138, %get3A_275 : vector<16xf32>
        %mul3A_437 = arith.mulf %bitcast3A_153, %get3A_279 : vector<16xf32>
        %add3A_438 = arith.addf %mul3A_435, %mul3A_436 : vector<16xf32>
        %sub3A_439 = arith.subf %add3A_438, %mul3A_435 : vector<16xf32>
        %sub3A_440 = arith.subf %add3A_438, %sub3A_439 : vector<16xf32>
        %sub3A_441 = arith.subf %mul3A_435, %sub3A_440 : vector<16xf32>
        %sub3A_442 = arith.subf %mul3A_436, %sub3A_439 : vector<16xf32>
        %add3A_443 = arith.addf %sub3A_441, %sub3A_442 : vector<16xf32>
        %add3A_444 = arith.addf %add3A_438, %mul3A_437 : vector<16xf32>
        %sub3A_445 = arith.subf %add3A_444, %add3A_438 : vector<16xf32>
        %sub3A_446 = arith.subf %add3A_444, %sub3A_445 : vector<16xf32>
        %sub3A_447 = arith.subf %add3A_438, %sub3A_446 : vector<16xf32>
        %sub3A_448 = arith.subf %mul3A_437, %sub3A_445 : vector<16xf32>
        %add3A_449 = arith.addf %sub3A_447, %sub3A_448 : vector<16xf32>
        %add3A_450 = arith.addf %add3A_443, %add3A_449 : vector<16xf32>
        %add3A_451 = arith.addf %add3A_444, %add3A_450 : vector<16xf32>
        %add3A_452 = arith.addf %add3A_158, %get3A_281 : vector<16xf32>
        %mul3A_453 = arith.constant 2.000000e+00 : f32
        %mul3A_454 = vector.broadcast %mul3A_453 : f32 to vector<16xf32>
        %mul3A_455 = arith.mulf %mul3A_454, %add3A_451 : vector<16xf32>
        %sub3A_456 = arith.subf %add3A_452, %mul3A_455 : vector<16xf32>
        %lt3A_457 = arith.constant 4.000000e-02 : f32
        %lt3A_458 = vector.broadcast %lt3A_457 : f32 to vector<16xf32>
        %lt3A_459 = arith.cmpf olt, %sub3A_456, %lt3A_458 : vector<16xf32>
        %mul3A_460 = arith.mulf %bitcast3A_123, %get3A_285 : vector<16xf32>
        %mul3A_461 = arith.mulf %bitcast3A_138, %get3A_289 : vector<16xf32>
        %mul3A_462 = arith.mulf %bitcast3A_153, %get3A_293 : vector<16xf32>
        %add3A_463 = arith.addf %mul3A_460, %mul3A_461 : vector<16xf32>
        %sub3A_464 = arith.subf %add3A_463, %mul3A_460 : vector<16xf32>
        %sub3A_465 = arith.subf %add3A_463, %sub3A_464 : vector<16xf32>
        %sub3A_466 = arith.subf %mul3A_460, %sub3A_465 : vector<16xf32>
        %sub3A_467 = arith.subf %mul3A_461, %sub3A_464 : vector<16xf32>
        %add3A_468 = arith.addf %sub3A_466, %sub3A_467 : vector<16xf32>
        %add3A_469 = arith.addf %add3A_463, %mul3A_462 : vector<16xf32>
        %sub3A_470 = arith.subf %add3A_469, %add3A_463 : vector<16xf32>
        %sub3A_471 = arith.subf %add3A_469, %sub3A_470 : vector<16xf32>
        %sub3A_472 = arith.subf %add3A_463, %sub3A_471 : vector<16xf32>
        %sub3A_473 = arith.subf %mul3A_462, %sub3A_470 : vector<16xf32>
        %add3A_474 = arith.addf %sub3A_472, %sub3A_473 : vector<16xf32>
        %add3A_475 = arith.addf %add3A_468, %add3A_474 : vector<16xf32>
        %add3A_476 = arith.addf %add3A_469, %add3A_475 : vector<16xf32>
        %add3A_477 = arith.addf %add3A_158, %get3A_295 : vector<16xf32>
        %mul3A_478 = arith.constant 2.000000e+00 : f32
        %mul3A_479 = vector.broadcast %mul3A_478 : f32 to vector<16xf32>
        %mul3A_480 = arith.mulf %mul3A_479, %add3A_476 : vector<16xf32>
        %sub3A_481 = arith.subf %add3A_477, %mul3A_480 : vector<16xf32>
        %lt3A_482 = arith.constant 4.000000e-02 : f32
        %lt3A_483 = vector.broadcast %lt3A_482 : f32 to vector<16xf32>
        %lt3A_484 = arith.cmpf olt, %sub3A_481, %lt3A_483 : vector<16xf32>
        %mul3A_485 = arith.mulf %bitcast3A_123, %get3A_299 : vector<16xf32>
        %mul3A_486 = arith.mulf %bitcast3A_138, %get3A_303 : vector<16xf32>
        %mul3A_487 = arith.mulf %bitcast3A_153, %get3A_307 : vector<16xf32>
        %add3A_488 = arith.addf %mul3A_485, %mul3A_486 : vector<16xf32>
        %sub3A_489 = arith.subf %add3A_488, %mul3A_485 : vector<16xf32>
        %sub3A_490 = arith.subf %add3A_488, %sub3A_489 : vector<16xf32>
        %sub3A_491 = arith.subf %mul3A_485, %sub3A_490 : vector<16xf32>
        %sub3A_492 = arith.subf %mul3A_486, %sub3A_489 : vector<16xf32>
        %add3A_493 = arith.addf %sub3A_491, %sub3A_492 : vector<16xf32>
        %add3A_494 = arith.addf %add3A_488, %mul3A_487 : vector<16xf32>
        %sub3A_495 = arith.subf %add3A_494, %add3A_488 : vector<16xf32>
        %sub3A_496 = arith.subf %add3A_494, %sub3A_495 : vector<16xf32>
        %sub3A_497 = arith.subf %add3A_488, %sub3A_496 : vector<16xf32>
        %sub3A_498 = arith.subf %mul3A_487, %sub3A_495 : vector<16xf32>
        %add3A_499 = arith.addf %sub3A_497, %sub3A_498 : vector<16xf32>
        %add3A_500 = arith.addf %add3A_493, %add3A_499 : vector<16xf32>
        %add3A_501 = arith.addf %add3A_494, %add3A_500 : vector<16xf32>
        %add3A_502 = arith.addf %add3A_158, %get3A_309 : vector<16xf32>
        %mul3A_503 = arith.constant 2.000000e+00 : f32
        %mul3A_504 = vector.broadcast %mul3A_503 : f32 to vector<16xf32>
        %mul3A_505 = arith.mulf %mul3A_504, %add3A_501 : vector<16xf32>
        %sub3A_506 = arith.subf %add3A_502, %mul3A_505 : vector<16xf32>
        %lt3A_507 = arith.constant 4.000000e-02 : f32
        %lt3A_508 = vector.broadcast %lt3A_507 : f32 to vector<16xf32>
        %lt3A_509 = arith.cmpf olt, %sub3A_506, %lt3A_508 : vector<16xf32>
        %add3A_510 = arith.constant 0 : i32
        %add3A_511 = arith.addi %while3A_195, %add3A_510 : i32
        %broadcast_in_dim3A_512 = vector.broadcast %add3A_511 : i32 to vector<16xi32>
        %add3A_513 = arith.addi %broadcast_in_dim3A_512, %iota3A : vector<16xi32>
        %swap3A_514 = arith.constant 0 : index
        %swap3A_515 = tpu.vector_load %arg14[%swap3A_514] masked %lt3A_334 {strides = array<i32>} : memref<128xi32, #tpu.memory_space<vmem>>, vector<16xi32>, vector<16xi1>
        tpu.vector_store %arg14[%swap3A_514], %add3A_513 masked %lt3A_334 {strides = array<i32>} : memref<128xi32, #tpu.memory_space<vmem>>, vector<16xi32>, vector<16xi1>
        %all_reduce_population_count3A = tpu.all_reduce %lt3A_334 {dim = 0 : i64, kind = #tpu.reduction_kind<sum>} : vector<16xi1> -> vector<16xi32>
        %add3A_516 = arith.constant 16 : i32
        %add3A_517 = arith.addi %while3A_195, %add3A_516 : i32
        %broadcast_in_dim3A_518 = vector.broadcast %add3A_517 : i32 to vector<16xi32>
        %add3A_519 = arith.addi %broadcast_in_dim3A_518, %iota3A : vector<16xi32>
        %swap3A_520 = arith.constant 16 : index
        %swap3A_521 = tpu.vector_load %arg14[%swap3A_520] masked %lt3A_359 {strides = array<i32>} : memref<128xi32, #tpu.memory_space<vmem>>, vector<16xi32>, vector<16xi1>
        tpu.vector_store %arg14[%swap3A_520], %add3A_519 masked %lt3A_359 {strides = array<i32>} : memref<128xi32, #tpu.memory_space<vmem>>, vector<16xi32>, vector<16xi1>
        %all_reduce_population_count3A_522 = tpu.all_reduce %lt3A_359 {dim = 0 : i64, kind = #tpu.reduction_kind<sum>} : vector<16xi1> -> vector<16xi32>
        %add3A_523 = arith.constant 32 : i32
        %add3A_524 = arith.addi %while3A_195, %add3A_523 : i32
        %broadcast_in_dim3A_525 = vector.broadcast %add3A_524 : i32 to vector<16xi32>
        %add3A_526 = arith.addi %broadcast_in_dim3A_525, %iota3A : vector<16xi32>
        %swap3A_527 = arith.constant 32 : index
        %swap3A_528 = tpu.vector_load %arg14[%swap3A_527] masked %lt3A_384 {strides = array<i32>} : memref<128xi32, #tpu.memory_space<vmem>>, vector<16xi32>, vector<16xi1>
        tpu.vector_store %arg14[%swap3A_527], %add3A_526 masked %lt3A_384 {strides = array<i32>} : memref<128xi32, #tpu.memory_space<vmem>>, vector<16xi32>, vector<16xi1>
        %all_reduce_population_count3A_529 = tpu.all_reduce %lt3A_384 {dim = 0 : i64, kind = #tpu.reduction_kind<sum>} : vector<16xi1> -> vector<16xi32>
        %add3A_530 = arith.constant 48 : i32
        %add3A_531 = arith.addi %while3A_195, %add3A_530 : i32
        %broadcast_in_dim3A_532 = vector.broadcast %add3A_531 : i32 to vector<16xi32>
        %add3A_533 = arith.addi %broadcast_in_dim3A_532, %iota3A : vector<16xi32>
        %swap3A_534 = arith.constant 48 : index
        %swap3A_535 = tpu.vector_load %arg14[%swap3A_534] masked %lt3A_409 {strides = array<i32>} : memref<128xi32, #tpu.memory_space<vmem>>, vector<16xi32>, vector<16xi1>
        tpu.vector_store %arg14[%swap3A_534], %add3A_533 masked %lt3A_409 {strides = array<i32>} : memref<128xi32, #tpu.memory_space<vmem>>, vector<16xi32>, vector<16xi1>
        %all_reduce_population_count3A_536 = tpu.all_reduce %lt3A_409 {dim = 0 : i64, kind = #tpu.reduction_kind<sum>} : vector<16xi1> -> vector<16xi32>
        %add3A_537 = arith.constant 64 : i32
        %add3A_538 = arith.addi %while3A_195, %add3A_537 : i32
        %broadcast_in_dim3A_539 = vector.broadcast %add3A_538 : i32 to vector<16xi32>
        %add3A_540 = arith.addi %broadcast_in_dim3A_539, %iota3A : vector<16xi32>
        %swap3A_541 = arith.constant 64 : index
        %swap3A_542 = tpu.vector_load %arg14[%swap3A_541] masked %lt3A_434 {strides = array<i32>} : memref<128xi32, #tpu.memory_space<vmem>>, vector<16xi32>, vector<16xi1>
        tpu.vector_store %arg14[%swap3A_541], %add3A_540 masked %lt3A_434 {strides = array<i32>} : memref<128xi32, #tpu.memory_space<vmem>>, vector<16xi32>, vector<16xi1>
        %all_reduce_population_count3A_543 = tpu.all_reduce %lt3A_434 {dim = 0 : i64, kind = #tpu.reduction_kind<sum>} : vector<16xi1> -> vector<16xi32>
        %add3A_544 = arith.constant 80 : i32
        %add3A_545 = arith.addi %while3A_195, %add3A_544 : i32
        %broadcast_in_dim3A_546 = vector.broadcast %add3A_545 : i32 to vector<16xi32>
        %add3A_547 = arith.addi %broadcast_in_dim3A_546, %iota3A : vector<16xi32>
        %swap3A_548 = arith.constant 80 : index
        %swap3A_549 = tpu.vector_load %arg14[%swap3A_548] masked %lt3A_459 {strides = array<i32>} : memref<128xi32, #tpu.memory_space<vmem>>, vector<16xi32>, vector<16xi1>
        tpu.vector_store %arg14[%swap3A_548], %add3A_547 masked %lt3A_459 {strides = array<i32>} : memref<128xi32, #tpu.memory_space<vmem>>, vector<16xi32>, vector<16xi1>
        %all_reduce_population_count3A_550 = tpu.all_reduce %lt3A_459 {dim = 0 : i64, kind = #tpu.reduction_kind<sum>} : vector<16xi1> -> vector<16xi32>
        %add3A_551 = arith.constant 96 : i32
        %add3A_552 = arith.addi %while3A_195, %add3A_551 : i32
        %broadcast_in_dim3A_553 = vector.broadcast %add3A_552 : i32 to vector<16xi32>
        %add3A_554 = arith.addi %broadcast_in_dim3A_553, %iota3A : vector<16xi32>
        %swap3A_555 = arith.constant 96 : index
        %swap3A_556 = tpu.vector_load %arg14[%swap3A_555] masked %lt3A_484 {strides = array<i32>} : memref<128xi32, #tpu.memory_space<vmem>>, vector<16xi32>, vector<16xi1>
        tpu.vector_store %arg14[%swap3A_555], %add3A_554 masked %lt3A_484 {strides = array<i32>} : memref<128xi32, #tpu.memory_space<vmem>>, vector<16xi32>, vector<16xi1>
        %all_reduce_population_count3A_557 = tpu.all_reduce %lt3A_484 {dim = 0 : i64, kind = #tpu.reduction_kind<sum>} : vector<16xi1> -> vector<16xi32>
        %add3A_558 = arith.constant 112 : i32
        %add3A_559 = arith.addi %while3A_195, %add3A_558 : i32
        %broadcast_in_dim3A_560 = vector.broadcast %add3A_559 : i32 to vector<16xi32>
        %add3A_561 = arith.addi %broadcast_in_dim3A_560, %iota3A : vector<16xi32>
        %swap3A_562 = arith.constant 112 : index
        %swap3A_563 = tpu.vector_load %arg14[%swap3A_562] masked %lt3A_509 {strides = array<i32>} : memref<128xi32, #tpu.memory_space<vmem>>, vector<16xi32>, vector<16xi1>
        tpu.vector_store %arg14[%swap3A_562], %add3A_561 masked %lt3A_509 {strides = array<i32>} : memref<128xi32, #tpu.memory_space<vmem>>, vector<16xi32>, vector<16xi1>
        %all_reduce_population_count3A_564 = tpu.all_reduce %lt3A_509 {dim = 0 : i64, kind = #tpu.reduction_kind<sum>} : vector<16xi1> -> vector<16xi32>
        %get3A_565 = arith.constant 0 : index
        %get3A_566 = tpu.vector_load %arg14[%get3A_565] {strides = array<i32>} : memref<128xi32, #tpu.memory_space<vmem>>, vector<16xi32>,
        %add3A_567 = arith.addi %broadcast_in_dim3A_161, %while3A_196 : vector<16xi32>
        %add3A_568 = arith.addi %add3A_567, %iota3A : vector<16xi32>
        %lt3A_569 = arith.cmpi slt, %iota3A, %all_reduce_population_count3A : vector<16xi32>
        tpu.vector_store_idx %arg10[%add3A_568], %get3A_566 masked %lt3A_569 : memref<8448xi32, #tpu.memory_space<vmem>>[vector<16xi32>], vector<16xi32>, vector<16xi1>
        %add3A_570 = arith.addi %while3A_196, %all_reduce_population_count3A : vector<16xi32>
        %get3A_571 = arith.constant 16 : index
        %get3A_572 = tpu.vector_load %arg14[%get3A_571] {strides = array<i32>} : memref<128xi32, #tpu.memory_space<vmem>>, vector<16xi32>,
        %add3A_573 = arith.addi %broadcast_in_dim3A_161, %add3A_570 : vector<16xi32>
        %add3A_574 = arith.addi %add3A_573, %iota3A : vector<16xi32>
        %lt3A_575 = arith.cmpi slt, %iota3A, %all_reduce_population_count3A_522 : vector<16xi32>
        tpu.vector_store_idx %arg10[%add3A_574], %get3A_572 masked %lt3A_575 : memref<8448xi32, #tpu.memory_space<vmem>>[vector<16xi32>], vector<16xi32>, vector<16xi1>
        %add3A_576 = arith.addi %add3A_570, %all_reduce_population_count3A_522 : vector<16xi32>
        %get3A_577 = arith.constant 32 : index
        %get3A_578 = tpu.vector_load %arg14[%get3A_577] {strides = array<i32>} : memref<128xi32, #tpu.memory_space<vmem>>, vector<16xi32>,
        %add3A_579 = arith.addi %broadcast_in_dim3A_161, %add3A_576 : vector<16xi32>
        %add3A_580 = arith.addi %add3A_579, %iota3A : vector<16xi32>
        %lt3A_581 = arith.cmpi slt, %iota3A, %all_reduce_population_count3A_529 : vector<16xi32>
        tpu.vector_store_idx %arg10[%add3A_580], %get3A_578 masked %lt3A_581 : memref<8448xi32, #tpu.memory_space<vmem>>[vector<16xi32>], vector<16xi32>, vector<16xi1>
        %add3A_582 = arith.addi %add3A_576, %all_reduce_population_count3A_529 : vector<16xi32>
        %get3A_583 = arith.constant 48 : index
        %get3A_584 = tpu.vector_load %arg14[%get3A_583] {strides = array<i32>} : memref<128xi32, #tpu.memory_space<vmem>>, vector<16xi32>,
        %add3A_585 = arith.addi %broadcast_in_dim3A_161, %add3A_582 : vector<16xi32>
        %add3A_586 = arith.addi %add3A_585, %iota3A : vector<16xi32>
        %lt3A_587 = arith.cmpi slt, %iota3A, %all_reduce_population_count3A_536 : vector<16xi32>
        tpu.vector_store_idx %arg10[%add3A_586], %get3A_584 masked %lt3A_587 : memref<8448xi32, #tpu.memory_space<vmem>>[vector<16xi32>], vector<16xi32>, vector<16xi1>
        %add3A_588 = arith.addi %add3A_582, %all_reduce_population_count3A_536 : vector<16xi32>
        %get3A_589 = arith.constant 64 : index
        %get3A_590 = tpu.vector_load %arg14[%get3A_589] {strides = array<i32>} : memref<128xi32, #tpu.memory_space<vmem>>, vector<16xi32>,
        %add3A_591 = arith.addi %broadcast_in_dim3A_161, %add3A_588 : vector<16xi32>
        %add3A_592 = arith.addi %add3A_591, %iota3A : vector<16xi32>
        %lt3A_593 = arith.cmpi slt, %iota3A, %all_reduce_population_count3A_543 : vector<16xi32>
        tpu.vector_store_idx %arg10[%add3A_592], %get3A_590 masked %lt3A_593 : memref<8448xi32, #tpu.memory_space<vmem>>[vector<16xi32>], vector<16xi32>, vector<16xi1>
        %add3A_594 = arith.addi %add3A_588, %all_reduce_population_count3A_543 : vector<16xi32>
        %get3A_595 = arith.constant 80 : index
        %get3A_596 = tpu.vector_load %arg14[%get3A_595] {strides = array<i32>} : memref<128xi32, #tpu.memory_space<vmem>>, vector<16xi32>,
        %add3A_597 = arith.addi %broadcast_in_dim3A_161, %add3A_594 : vector<16xi32>
        %add3A_598 = arith.addi %add3A_597, %iota3A : vector<16xi32>
        %lt3A_599 = arith.cmpi slt, %iota3A, %all_reduce_population_count3A_550 : vector<16xi32>
        tpu.vector_store_idx %arg10[%add3A_598], %get3A_596 masked %lt3A_599 : memref<8448xi32, #tpu.memory_space<vmem>>[vector<16xi32>], vector<16xi32>, vector<16xi1>
        %add3A_600 = arith.addi %add3A_594, %all_reduce_population_count3A_550 : vector<16xi32>
        %get3A_601 = arith.constant 96 : index
        %get3A_602 = tpu.vector_load %arg14[%get3A_601] {strides = array<i32>} : memref<128xi32, #tpu.memory_space<vmem>>, vector<16xi32>,
        %add3A_603 = arith.addi %broadcast_in_dim3A_161, %add3A_600 : vector<16xi32>
        %add3A_604 = arith.addi %add3A_603, %iota3A : vector<16xi32>
        %lt3A_605 = arith.cmpi slt, %iota3A, %all_reduce_population_count3A_557 : vector<16xi32>
        tpu.vector_store_idx %arg10[%add3A_604], %get3A_602 masked %lt3A_605 : memref<8448xi32, #tpu.memory_space<vmem>>[vector<16xi32>], vector<16xi32>, vector<16xi1>
        %add3A_606 = arith.addi %add3A_600, %all_reduce_population_count3A_557 : vector<16xi32>
        %get3A_607 = arith.constant 112 : index
        %get3A_608 = tpu.vector_load %arg14[%get3A_607] {strides = array<i32>} : memref<128xi32, #tpu.memory_space<vmem>>, vector<16xi32>,
        %add3A_609 = arith.addi %broadcast_in_dim3A_161, %add3A_606 : vector<16xi32>
        %add3A_610 = arith.addi %add3A_609, %iota3A : vector<16xi32>
        %lt3A_611 = arith.cmpi slt, %iota3A, %all_reduce_population_count3A_564 : vector<16xi32>
        tpu.vector_store_idx %arg10[%add3A_610], %get3A_608 masked %lt3A_611 : memref<8448xi32, #tpu.memory_space<vmem>>[vector<16xi32>], vector<16xi32>, vector<16xi1>
        %add3A_612 = arith.addi %add3A_606, %all_reduce_population_count3A_564 : vector<16xi32>
        %reduce_max3A = arith.constant true
        %reduce_max3A_613 = vector.broadcast %reduce_max3A : i1 to vector<16xi1>
        %reduce_max3A_614 = arith.constant -2147483648 : i32
        %reduce_max3A_615 = vector.broadcast %reduce_max3A_614 : i32 to vector<16xi32>
        %reduce_max3A_616 = arith.xori %add3A_612, %reduce_max3A_615 : vector<16xi32>
        %reduce_max3A_617 = tpu.scan <max>, %reduce_max3A_616 masked %reduce_max3A_613 : vector<16xi32>, vector<16xi1> -> vector<16xi32>
        %reduce_max3A_618 = arith.xori %reduce_max3A_617, %reduce_max3A_615 : vector<16xi32>
        %reduce_max3A_619 = vector.extract %reduce_max3A_618[15] : i32 from vector<16xi32>
        %add3A_620 = arith.constant 128 : i32
        %add3A_621 = arith.addi %while3A_195, %add3A_620 : i32
        scf.yield %add3A_621, %add3A_612, %reduce_max3A_619 : i32, vector<16xi32>, i32
      }
      %broadcast_in_dim3A_164 = vector.broadcast %while3A_163#2 : i32 to vector<16xi32>
      %gather3A_165 = tpu.vector_load_idx %arg10[%broadcast_in_dim3A_161] : memref<8448xi32, #tpu.memory_space<vmem>>[vector<16xi32>], vector<16xi32>,
      %gt3A = arith.constant 0 : i32
      %gt3A_166 = vector.broadcast %gt3A : i32 to vector<16xi32>
      %gt3A_167 = arith.cmpi sgt, %broadcast_in_dim3A_164, %gt3A_166 : vector<16xi32>
      %select_n3A_168 = arith.select %gt3A_167, %gather3A_165, %broadcast_in_dim3A_33 : vector<16xi1>, vector<16xi32>
      %mul3A_169 = arith.constant 32 : i32
      %mul3A_170 = arith.muli %scan3A_100, %mul3A_169 : i32
      %get3A = arith.index_cast %mul3A_170 : i32 to index
      %get3A_171 = tpu.vector_load %arg10[%get3A] {strides = array<i32>} : memref<8448xi32, #tpu.memory_space<vmem>>, vector<16xi32>,
      %lt3A_172 = arith.cmpi slt, %iota3A, %broadcast_in_dim3A_164 : vector<16xi32>
      %select_n3A_173 = arith.select %lt3A_172, %get3A_171, %select_n3A_168 : vector<16xi1>, vector<16xi32>
      %mul3A_174 = arith.constant 32 : i32
      %mul3A_175 = arith.muli %scan3A_100, %mul3A_174 : i32
      %swap3A = arith.index_cast %mul3A_175 : i32 to index
      %swap3A_176 = tpu.vector_load %arg10[%swap3A] {strides = array<i32>} : memref<8448xi32, #tpu.memory_space<vmem>>, vector<16xi32>,
      tpu.vector_store %arg10[%swap3A], %select_n3A_173 {strides = array<i32>} : memref<8448xi32, #tpu.memory_space<vmem>>, vector<16xi32>,
      %mul3A_177 = arith.constant 32 : i32
      %mul3A_178 = arith.muli %scan3A_100, %mul3A_177 : i32
      %add3A_179 = arith.constant 16 : i32
      %add3A_180 = arith.addi %mul3A_178, %add3A_179 : i32
      %get3A_181 = arith.index_cast %add3A_180 : i32 to index
      %get3A_182 = tpu.vector_load %arg10[%get3A_181] {strides = array<i32>} : memref<8448xi32, #tpu.memory_space<vmem>>, vector<16xi32>,
      %add3A_183 = arith.constant 16 : i32
      %add3A_184 = vector.broadcast %add3A_183 : i32 to vector<16xi32>
      %add3A_185 = arith.addi %iota3A, %add3A_184 : vector<16xi32>
      %lt3A_186 = arith.cmpi slt, %add3A_185, %broadcast_in_dim3A_164 : vector<16xi32>
      %select_n3A_187 = arith.select %lt3A_186, %get3A_182, %select_n3A_168 : vector<16xi1>, vector<16xi32>
      %mul3A_188 = arith.constant 32 : i32
      %mul3A_189 = arith.muli %scan3A_100, %mul3A_188 : i32
      %add3A_190 = arith.constant 16 : i32
      %add3A_191 = arith.addi %mul3A_189, %add3A_190 : i32
      %swap3A_192 = arith.index_cast %add3A_191 : i32 to index
      %swap3A_193 = tpu.vector_load %arg10[%swap3A_192] {strides = array<i32>} : memref<8448xi32, #tpu.memory_space<vmem>>, vector<16xi32>,
      tpu.vector_store %arg10[%swap3A_192], %select_n3A_187 {strides = array<i32>} : memref<8448xi32, #tpu.memory_space<vmem>>, vector<16xi32>,
      %scan3A_194 = arith.constant 0 : i32
      scf.yield %scan3A_194 : i32
    }
    %scan3A_59 = arith.constant 256 : i32
    %scan3A_60 = arith.constant 0 : i32
    %scan3A_61 = arith.constant 0 : i32
    %scan3A_62 = arith.constant 512 : i32
    %scan3A_63 = arith.addi %scan3A_61, %scan3A_62 : i32
    %scan3A_64 = arith.constant 1 : i32
    %scan3A_65 = scf.for %scan3A_100 = %scan3A_61 to %scan3A_63 step %scan3A_64 iter_args(%scan3A_101 = %scan3A_60) -> (i32)  : i32 {
      %mul3A_102 = arith.constant 16 : i32
      %mul3A_103 = arith.muli %scan3A_100, %mul3A_102 : i32
      %get3A = arith.index_cast %mul3A_103 : i32 to index
      %get3A_104 = tpu.vector_load %arg10[%get3A] {strides = array<i32>} : memref<8448xi32, #tpu.memory_space<vmem>>, vector<16xi32>,
      %get3A_105 = arith.index_cast %mul3A_103 : i32 to index
      %get3A_106 = tpu.vector_load %arg11[%get3A_105] {strides = array<i32>} : memref<8192xi32, #tpu.memory_space<vmem>>, vector<16xi32>,
      %add3A_107 = arith.constant 0 : i32
      %add3A_108 = vector.broadcast %add3A_107 : i32 to vector<16xi32>
      %add3A_109 = arith.addi %get3A_104, %add3A_108 : vector<16xi32>
      %gather3A = tpu.vector_load_idx %arg6[%add3A_109] : memref<24576xf32, #tpu.memory_space<vmem>>[vector<16xi32>], vector<16xf32>,
      %add3A_110 = arith.constant 0 : i32
      %add3A_111 = vector.broadcast %add3A_110 : i32 to vector<16xi32>
      %add3A_112 = arith.addi %get3A_106, %add3A_111 : vector<16xi32>
      %gather3A_113 = tpu.vector_load_idx %arg9[%add3A_112] : memref<768xf32, #tpu.memory_space<vmem>>[vector<16xi32>], vector<16xf32>,
      %sub3A_114 = arith.subf %gather3A, %gather3A_113 : vector<16xf32>
      %swap3A = arith.index_cast %mul3A_103 : i32 to index
      %swap3A_115 = tpu.vector_load %arg13[%swap3A] {strides = array<i32>} : memref<8192xf32, #tpu.memory_space<vmem>>, vector<16xf32>,
      tpu.vector_store %arg13[%swap3A], %sub3A_114 {strides = array<i32>} : memref<8192xf32, #tpu.memory_space<vmem>>, vector<16xf32>,
      %scan3A_116 = arith.constant 0 : i32
      scf.yield %scan3A_116 : i32
    }
    %scan3A_66 = arith.constant 512 : i32
    %mul3A_67 = arith.constant 32 : i32
    %mul3A_68 = arith.muli %mul3A_32, %mul3A_67 : i32
    %add3A_69 = arith.constant 0 : i32
    %add3A_70 = arith.addi %add3A_69, %mul3A_68 : i32
    "tpu.region"() ({
      %run_scoped3A = tpu.sem_alloc : memref<!tpu.dma_semaphore, #tpu.memory_space<semaphore_mem>>
      %dma_start3A = tpu.memref_slice %arg5[%select_n3A, %add3A_70] : memref<4x4390912xf32, #tpu.memory_space<hbm>> -> memref<1x8192xf32, #tpu.memory_space<hbm>>
      %dma_start3A_100 = tpu.memref_squeeze %dma_start3A : memref<1x8192xf32, #tpu.memory_space<hbm>> -> memref<8192xf32, #tpu.memory_space<hbm>>
      %dma_start3A_101 = tpu.memref_slice %arg5[%select_n3A, %add3A_70] : memref<4x4390912xf32, #tpu.memory_space<hbm>> -> memref<1x8192xf32, #tpu.memory_space<hbm>>
      %dma_start3A_102 = tpu.memref_squeeze %dma_start3A_101 : memref<1x8192xf32, #tpu.memory_space<hbm>> -> memref<8192xf32, #tpu.memory_space<hbm>>
      tpu.enqueue_dma source(%arg13 : memref<8192xf32, #tpu.memory_space<vmem>>) target(%dma_start3A_102 : memref<8192xf32, #tpu.memory_space<hbm>>) target_semaphore(%run_scoped3A : memref<!tpu.dma_semaphore, #tpu.memory_space<semaphore_mem>>)
      %dma_wait3A = tpu.memref_slice %arg5[%select_n3A, %add3A_70] : memref<4x4390912xf32, #tpu.memory_space<hbm>> -> memref<1x8192xf32, #tpu.memory_space<hbm>>
      %dma_wait3A_103 = tpu.memref_squeeze %dma_wait3A : memref<1x8192xf32, #tpu.memory_space<hbm>> -> memref<8192xf32, #tpu.memory_space<hbm>>
      %dma_wait3A_104 = tpu.memref_slice %arg5[%select_n3A, %add3A_70] : memref<4x4390912xf32, #tpu.memory_space<hbm>> -> memref<1x8192xf32, #tpu.memory_space<hbm>>
      %dma_wait3A_105 = tpu.memref_squeeze %dma_wait3A_104 : memref<1x8192xf32, #tpu.memory_space<hbm>> -> memref<8192xf32, #tpu.memory_space<hbm>>
      tpu.wait_dma2 semaphore(%run_scoped3A : memref<!tpu.dma_semaphore, #tpu.memory_space<semaphore_mem>>) src(%arg13 : memref<8192xf32, #tpu.memory_space<vmem>>) dst(%dma_wait3A_105 : memref<8192xf32, #tpu.memory_space<hbm>>)
      tpu.yield
    }) : () -> ()
    %scan3A_71 = arith.constant 0 : i32
    %scan3A_72 = arith.constant 0 : i32
    %scan3A_73 = arith.constant 512 : i32
    %scan3A_74 = arith.addi %scan3A_72, %scan3A_73 : i32
    %scan3A_75 = arith.constant 1 : i32
    %scan3A_76 = scf.for %scan3A_100 = %scan3A_72 to %scan3A_74 step %scan3A_75 iter_args(%scan3A_101 = %scan3A_71) -> (i32)  : i32 {
      %mul3A_102 = arith.constant 16 : i32
      %mul3A_103 = arith.muli %scan3A_100, %mul3A_102 : i32
      %get3A = arith.index_cast %mul3A_103 : i32 to index
      %get3A_104 = tpu.vector_load %arg10[%get3A] {strides = array<i32>} : memref<8448xi32, #tpu.memory_space<vmem>>, vector<16xi32>,
      %get3A_105 = arith.index_cast %mul3A_103 : i32 to index
      %get3A_106 = tpu.vector_load %arg11[%get3A_105] {strides = array<i32>} : memref<8192xi32, #tpu.memory_space<vmem>>, vector<16xi32>,
      %add3A_107 = arith.constant 8192 : i32
      %add3A_108 = vector.broadcast %add3A_107 : i32 to vector<16xi32>
      %add3A_109 = arith.addi %get3A_104, %add3A_108 : vector<16xi32>
      %gather3A = tpu.vector_load_idx %arg6[%add3A_109] : memref<24576xf32, #tpu.memory_space<vmem>>[vector<16xi32>], vector<16xf32>,
      %add3A_110 = arith.constant 256 : i32
      %add3A_111 = vector.broadcast %add3A_110 : i32 to vector<16xi32>
      %add3A_112 = arith.addi %get3A_106, %add3A_111 : vector<16xi32>
      %gather3A_113 = tpu.vector_load_idx %arg9[%add3A_112] : memref<768xf32, #tpu.memory_space<vmem>>[vector<16xi32>], vector<16xf32>,
      %sub3A_114 = arith.subf %gather3A, %gather3A_113 : vector<16xf32>
      %swap3A = arith.index_cast %mul3A_103 : i32 to index
      %swap3A_115 = tpu.vector_load %arg13[%swap3A] {strides = array<i32>} : memref<8192xf32, #tpu.memory_space<vmem>>, vector<16xf32>,
      tpu.vector_store %arg13[%swap3A], %sub3A_114 {strides = array<i32>} : memref<8192xf32, #tpu.memory_space<vmem>>, vector<16xf32>,
      %scan3A_116 = arith.constant 0 : i32
      scf.yield %scan3A_116 : i32
    }
    %scan3A_77 = arith.constant 512 : i32
    %mul3A_78 = arith.constant 32 : i32
    %mul3A_79 = arith.muli %mul3A_32, %mul3A_78 : i32
    %add3A_80 = arith.constant 65536 : i32
    %add3A_81 = arith.addi %add3A_80, %mul3A_79 : i32
    "tpu.region"() ({
      %run_scoped3A = tpu.sem_alloc : memref<!tpu.dma_semaphore, #tpu.memory_space<semaphore_mem>>
      %dma_start3A = tpu.memref_slice %arg5[%select_n3A, %add3A_81] : memref<4x4390912xf32, #tpu.memory_space<hbm>> -> memref<1x8192xf32, #tpu.memory_space<hbm>>
      %dma_start3A_100 = tpu.memref_squeeze %dma_start3A : memref<1x8192xf32, #tpu.memory_space<hbm>> -> memref<8192xf32, #tpu.memory_space<hbm>>
      %dma_start3A_101 = tpu.memref_slice %arg5[%select_n3A, %add3A_81] : memref<4x4390912xf32, #tpu.memory_space<hbm>> -> memref<1x8192xf32, #tpu.memory_space<hbm>>
      %dma_start3A_102 = tpu.memref_squeeze %dma_start3A_101 : memref<1x8192xf32, #tpu.memory_space<hbm>> -> memref<8192xf32, #tpu.memory_space<hbm>>
      tpu.enqueue_dma source(%arg13 : memref<8192xf32, #tpu.memory_space<vmem>>) target(%dma_start3A_102 : memref<8192xf32, #tpu.memory_space<hbm>>) target_semaphore(%run_scoped3A : memref<!tpu.dma_semaphore, #tpu.memory_space<semaphore_mem>>)
      %dma_wait3A = tpu.memref_slice %arg5[%select_n3A, %add3A_81] : memref<4x4390912xf32, #tpu.memory_space<hbm>> -> memref<1x8192xf32, #tpu.memory_space<hbm>>
      %dma_wait3A_103 = tpu.memref_squeeze %dma_wait3A : memref<1x8192xf32, #tpu.memory_space<hbm>> -> memref<8192xf32, #tpu.memory_space<hbm>>
      %dma_wait3A_104 = tpu.memref_slice %arg5[%select_n3A, %add3A_81] : memref<4x4390912xf32, #tpu.memory_space<hbm>> -> memref<1x8192xf32, #tpu.memory_space<hbm>>
      %dma_wait3A_105 = tpu.memref_squeeze %dma_wait3A_104 : memref<1x8192xf32, #tpu.memory_space<hbm>> -> memref<8192xf32, #tpu.memory_space<hbm>>
      tpu.wait_dma2 semaphore(%run_scoped3A : memref<!tpu.dma_semaphore, #tpu.memory_space<semaphore_mem>>) src(%arg13 : memref<8192xf32, #tpu.memory_space<vmem>>) dst(%dma_wait3A_105 : memref<8192xf32, #tpu.memory_space<hbm>>)
      tpu.yield
    }) : () -> ()
    %scan3A_82 = arith.constant 0 : i32
    %scan3A_83 = arith.constant 0 : i32
    %scan3A_84 = arith.constant 512 : i32
    %scan3A_85 = arith.addi %scan3A_83, %scan3A_84 : i32
    %scan3A_86 = arith.constant 1 : i32
    %scan3A_87 = scf.for %scan3A_100 = %scan3A_83 to %scan3A_85 step %scan3A_86 iter_args(%scan3A_101 = %scan3A_82) -> (i32)  : i32 {
      %mul3A_102 = arith.constant 16 : i32
      %mul3A_103 = arith.muli %scan3A_100, %mul3A_102 : i32
      %get3A = arith.index_cast %mul3A_103 : i32 to index
      %get3A_104 = tpu.vector_load %arg10[%get3A] {strides = array<i32>} : memref<8448xi32, #tpu.memory_space<vmem>>, vector<16xi32>,
      %get3A_105 = arith.index_cast %mul3A_103 : i32 to index
      %get3A_106 = tpu.vector_load %arg11[%get3A_105] {strides = array<i32>} : memref<8192xi32, #tpu.memory_space<vmem>>, vector<16xi32>,
      %add3A_107 = arith.constant 16384 : i32
      %add3A_108 = vector.broadcast %add3A_107 : i32 to vector<16xi32>
      %add3A_109 = arith.addi %get3A_104, %add3A_108 : vector<16xi32>
      %gather3A = tpu.vector_load_idx %arg6[%add3A_109] : memref<24576xf32, #tpu.memory_space<vmem>>[vector<16xi32>], vector<16xf32>,
      %add3A_110 = arith.constant 512 : i32
      %add3A_111 = vector.broadcast %add3A_110 : i32 to vector<16xi32>
      %add3A_112 = arith.addi %get3A_106, %add3A_111 : vector<16xi32>
      %gather3A_113 = tpu.vector_load_idx %arg9[%add3A_112] : memref<768xf32, #tpu.memory_space<vmem>>[vector<16xi32>], vector<16xf32>,
      %sub3A_114 = arith.subf %gather3A, %gather3A_113 : vector<16xf32>
      %swap3A = arith.index_cast %mul3A_103 : i32 to index
      %swap3A_115 = tpu.vector_load %arg13[%swap3A] {strides = array<i32>} : memref<8192xf32, #tpu.memory_space<vmem>>, vector<16xf32>,
      tpu.vector_store %arg13[%swap3A], %sub3A_114 {strides = array<i32>} : memref<8192xf32, #tpu.memory_space<vmem>>, vector<16xf32>,
      %scan3A_116 = arith.constant 0 : i32
      scf.yield %scan3A_116 : i32
    }
    %scan3A_88 = arith.constant 512 : i32
    %mul3A_89 = arith.constant 32 : i32
    %mul3A_90 = arith.muli %mul3A_32, %mul3A_89 : i32
    %add3A_91 = arith.constant 131072 : i32
    %add3A_92 = arith.addi %add3A_91, %mul3A_90 : i32
    "tpu.region"() ({
      %run_scoped3A = tpu.sem_alloc : memref<!tpu.dma_semaphore, #tpu.memory_space<semaphore_mem>>
      %dma_start3A = tpu.memref_slice %arg5[%select_n3A, %add3A_92] : memref<4x4390912xf32, #tpu.memory_space<hbm>> -> memref<1x8192xf32, #tpu.memory_space<hbm>>
      %dma_start3A_100 = tpu.memref_squeeze %dma_start3A : memref<1x8192xf32, #tpu.memory_space<hbm>> -> memref<8192xf32, #tpu.memory_space<hbm>>
      %dma_start3A_101 = tpu.memref_slice %arg5[%select_n3A, %add3A_92] : memref<4x4390912xf32, #tpu.memory_space<hbm>> -> memref<1x8192xf32, #tpu.memory_space<hbm>>
      %dma_start3A_102 = tpu.memref_squeeze %dma_start3A_101 : memref<1x8192xf32, #tpu.memory_space<hbm>> -> memref<8192xf32, #tpu.memory_space<hbm>>
      tpu.enqueue_dma source(%arg13 : memref<8192xf32, #tpu.memory_space<vmem>>) target(%dma_start3A_102 : memref<8192xf32, #tpu.memory_space<hbm>>) target_semaphore(%run_scoped3A : memref<!tpu.dma_semaphore, #tpu.memory_space<semaphore_mem>>)
      %dma_wait3A = tpu.memref_slice %arg5[%select_n3A, %add3A_92] : memref<4x4390912xf32, #tpu.memory_space<hbm>> -> memref<1x8192xf32, #tpu.memory_space<hbm>>
      %dma_wait3A_103 = tpu.memref_squeeze %dma_wait3A : memref<1x8192xf32, #tpu.memory_space<hbm>> -> memref<8192xf32, #tpu.memory_space<hbm>>
      %dma_wait3A_104 = tpu.memref_slice %arg5[%select_n3A, %add3A_92] : memref<4x4390912xf32, #tpu.memory_space<hbm>> -> memref<1x8192xf32, #tpu.memory_space<hbm>>
      %dma_wait3A_105 = tpu.memref_squeeze %dma_wait3A_104 : memref<1x8192xf32, #tpu.memory_space<hbm>> -> memref<8192xf32, #tpu.memory_space<hbm>>
      tpu.wait_dma2 semaphore(%run_scoped3A : memref<!tpu.dma_semaphore, #tpu.memory_space<semaphore_mem>>) src(%arg13 : memref<8192xf32, #tpu.memory_space<vmem>>) dst(%dma_wait3A_105 : memref<8192xf32, #tpu.memory_space<hbm>>)
      tpu.yield
    }) : () -> ()
    %scan3A_93 = arith.constant 0 : i32
    %scan3A_94 = arith.constant 0 : i32
    %scan3A_95 = arith.constant 64 : i32
    %scan3A_96 = arith.addi %scan3A_94, %scan3A_95 : i32
    %scan3A_97 = arith.constant 1 : i32
    %scan3A_98 = scf.for %scan3A_100 = %scan3A_94 to %scan3A_96 step %scan3A_97 iter_args(%scan3A_101 = %scan3A_93) -> (i32)  : i32 {
      %mul3A_102 = arith.constant 8192 : i32
      %mul3A_103 = arith.muli %scan3A_100, %mul3A_102 : i32
      "tpu.region"() ({
        %run_scoped3A = tpu.sem_alloc : memref<!tpu.dma_semaphore, #tpu.memory_space<semaphore_mem>>
        %dma_start3A = tpu.memref_slice %arg4[%select_n3A, %mul3A_103] : memref<4x524288xf32, #tpu.memory_space<hbm>> -> memref<1x8192xf32, #tpu.memory_space<hbm>>
        %dma_start3A_121 = tpu.memref_squeeze %dma_start3A : memref<1x8192xf32, #tpu.memory_space<hbm>> -> memref<8192xf32, #tpu.memory_space<hbm>>
        %dma_start3A_122 = tpu.memref_slice %arg4[%select_n3A, %mul3A_103] : memref<4x524288xf32, #tpu.memory_space<hbm>> -> memref<1x8192xf32, #tpu.memory_space<hbm>>
        %dma_start3A_123 = tpu.memref_squeeze %dma_start3A_122 : memref<1x8192xf32, #tpu.memory_space<hbm>> -> memref<8192xf32, #tpu.memory_space<hbm>>
        tpu.enqueue_dma source(%dma_start3A_123 : memref<8192xf32, #tpu.memory_space<hbm>>) target(%arg12 : memref<8192xf32, #tpu.memory_space<vmem>>) target_semaphore(%run_scoped3A : memref<!tpu.dma_semaphore, #tpu.memory_space<semaphore_mem>>)
        %dma_wait3A = tpu.memref_slice %arg4[%select_n3A, %mul3A_103] : memref<4x524288xf32, #tpu.memory_space<hbm>> -> memref<1x8192xf32, #tpu.memory_space<hbm>>
        %dma_wait3A_124 = tpu.memref_squeeze %dma_wait3A : memref<1x8192xf32, #tpu.memory_space<hbm>> -> memref<8192xf32, #tpu.memory_space<hbm>>
        %dma_wait3A_125 = tpu.memref_slice %arg4[%select_n3A, %mul3A_103] : memref<4x524288xf32, #tpu.memory_space<hbm>> -> memref<1x8192xf32, #tpu.memory_space<hbm>>
        %dma_wait3A_126 = tpu.memref_squeeze %dma_wait3A_125 : memref<1x8192xf32, #tpu.memory_space<hbm>> -> memref<8192xf32, #tpu.memory_space<hbm>>
        tpu.wait_dma2 semaphore(%run_scoped3A : memref<!tpu.dma_semaphore, #tpu.memory_space<semaphore_mem>>) src(%dma_wait3A_126 : memref<8192xf32, #tpu.memory_space<hbm>>) dst(%arg12 : memref<8192xf32, #tpu.memory_space<vmem>>)
        tpu.yield
      }) : () -> ()
      %scan3A_104 = arith.constant 0 : i32
      %scan3A_105 = arith.constant 0 : i32
      %scan3A_106 = arith.constant 512 : i32
      %scan3A_107 = arith.addi %scan3A_105, %scan3A_106 : i32
      %scan3A_108 = arith.constant 1 : i32
      %scan3A_109 = scf.for %scan3A_121 = %scan3A_105 to %scan3A_107 step %scan3A_108 iter_args(%scan3A_122 = %scan3A_104) -> (i32)  : i32 {
        %mul3A_123 = arith.constant 16 : i32
        %mul3A_124 = arith.muli %scan3A_121, %mul3A_123 : i32
        %get3A = arith.index_cast %mul3A_124 : i32 to index
        %get3A_125 = tpu.vector_load %arg10[%get3A] {strides = array<i32>} : memref<8448xi32, #tpu.memory_space<vmem>>, vector<16xi32>,
        %gather3A = tpu.vector_load_idx %arg12[%get3A_125] : memref<8192xf32, #tpu.memory_space<vmem>>[vector<16xi32>], vector<16xf32>,
        %swap3A = arith.index_cast %mul3A_124 : i32 to index
        %swap3A_126 = tpu.vector_load %arg13[%swap3A] {strides = array<i32>} : memref<8192xf32, #tpu.memory_space<vmem>>, vector<16xf32>,
        tpu.vector_store %arg13[%swap3A], %gather3A {strides = array<i32>} : memref<8192xf32, #tpu.memory_space<vmem>>, vector<16xf32>,
        %scan3A_127 = arith.constant 0 : i32
        scf.yield %scan3A_127 : i32
      }
      %scan3A_110 = arith.constant 512 : i32
      %add3A_111 = arith.constant 3 : i32
      %add3A_112 = arith.addi %add3A_111, %scan3A_100 : i32
      %mul3A_113 = arith.constant 2048 : i32
      %mul3A_114 = arith.muli %add3A_112, %mul3A_113 : i32
      %mul3A_115 = arith.constant 32 : i32
      %mul3A_116 = arith.muli %mul3A_114, %mul3A_115 : i32
      %mul3A_117 = arith.constant 32 : i32
      %mul3A_118 = arith.muli %mul3A_32, %mul3A_117 : i32
      %add3A_119 = arith.addi %mul3A_116, %mul3A_118 : i32
      "tpu.region"() ({
        %run_scoped3A = tpu.sem_alloc : memref<!tpu.dma_semaphore, #tpu.memory_space<semaphore_mem>>
        %dma_start3A = tpu.memref_slice %arg5[%select_n3A, %add3A_119] : memref<4x4390912xf32, #tpu.memory_space<hbm>> -> memref<1x8192xf32, #tpu.memory_space<hbm>>
        %dma_start3A_121 = tpu.memref_squeeze %dma_start3A : memref<1x8192xf32, #tpu.memory_space<hbm>> -> memref<8192xf32, #tpu.memory_space<hbm>>
        %dma_start3A_122 = tpu.memref_slice %arg5[%select_n3A, %add3A_119] : memref<4x4390912xf32, #tpu.memory_space<hbm>> -> memref<1x8192xf32, #tpu.memory_space<hbm>>
        %dma_start3A_123 = tpu.memref_squeeze %dma_start3A_122 : memref<1x8192xf32, #tpu.memory_space<hbm>> -> memref<8192xf32, #tpu.memory_space<hbm>>
        tpu.enqueue_dma source(%arg13 : memref<8192xf32, #tpu.memory_space<vmem>>) target(%dma_start3A_123 : memref<8192xf32, #tpu.memory_space<hbm>>) target_semaphore(%run_scoped3A : memref<!tpu.dma_semaphore, #tpu.memory_space<semaphore_mem>>)
        %dma_wait3A = tpu.memref_slice %arg5[%select_n3A, %add3A_119] : memref<4x4390912xf32, #tpu.memory_space<hbm>> -> memref<1x8192xf32, #tpu.memory_space<hbm>>
        %dma_wait3A_124 = tpu.memref_squeeze %dma_wait3A : memref<1x8192xf32, #tpu.memory_space<hbm>> -> memref<8192xf32, #tpu.memory_space<hbm>>
        %dma_wait3A_125 = tpu.memref_slice %arg5[%select_n3A, %add3A_119] : memref<4x4390912xf32, #tpu.memory_space<hbm>> -> memref<1x8192xf32, #tpu.memory_space<hbm>>
        %dma_wait3A_126 = tpu.memref_squeeze %dma_wait3A_125 : memref<1x8192xf32, #tpu.memory_space<hbm>> -> memref<8192xf32, #tpu.memory_space<hbm>>
        tpu.wait_dma2 semaphore(%run_scoped3A : memref<!tpu.dma_semaphore, #tpu.memory_space<semaphore_mem>>) src(%arg13 : memref<8192xf32, #tpu.memory_space<vmem>>) dst(%dma_wait3A_126 : memref<8192xf32, #tpu.memory_space<hbm>>)
        tpu.yield
      }) : () -> ()
      %scan3A_120 = arith.constant 0 : i32
      scf.yield %scan3A_120 : i32
    }
    %scan3A_99 = arith.constant 64 : i32
    return
  }
}

</mosaic_0001>

<sc_bundles>
// kernel: kernel.3.cloned.1.call-start
scs
__scs_entry_jumppad:
0x0: {  	(pc) =	sbr.rel $0x88, $3  }
0x1: {  	(tag) =	ssettag $0x0;
	lr =	simm.s32 $0x1  }
0x2: {  	[smem:$0x3F9E] =	sst lr;
	_ =	strace $0xD0000000  }
0x3: {  	_ = 	snop  }
0x4: {  	_ = 	snop  }
0x5: {  	_ = 	snop  }
0x6: {  	_ = 	snop  }
0x7: {  	_ = 	snop  }
__scs_overlays_trampoline_lowered:
0x8: {  	[smem:$0x3FAD] =	sst s0  }
0x9: {  	[smem:$0x3FAE] =	sst s1  }
0xa: {  	[smem:$0x3FAF] =	sst s2  }
0xb: {  	[smem:$0x3FB0] =	sst s3  }
0xc: {  	[smem:$0x3FB1] =	sst s4  }
0xd: {  	[smem:$0x3FB2] =	sst s5  }
0xe: {  	[smem:$0x3FB3] =	sst s6  }
0xf: {  	[smem:$0x3FB4] =	sst s7  }
0x10: {  	[smem:$0x3FB5] =	sst s8  }
0x11: {  	[smem:$0x3FB6] =	sst s9;
	s0 =	simm.s32 @!p0 $0x0  }
0x12: {  	s1 =	sld [smem:$0x3F9C];
	s0 =	simm.s32 @p0 $0x1  }
0x13: {  	[smem:$0x3FB7] =	sst s0;
	s0 =	simm.s32 @!p1 $0x0  }
0x14: {  	s2 =	sld [smem:$0x3F9B];
	s0 =	simm.s32 @p1 $0x1  }
0x15: {  	[smem:$0x3FB8] =	sst s0;
	s0 =	simm.s32 @!p2 $0x0  }
0x16: {  	s3 =	sld [smem:$0x3FDB];
	s0 =	simm.s32 @p2 $0x1  }
0x17: {  	s4 =	simm.s32 $0x1BF5;
	[smem:$0x3FBA] =	sst s0  }
0x18: {  	s0 =	sld [smem:$0x3F9D];
	_ =	swait.ge [sflag:s4], $0x0  }
0x19: {  	s7 =	sld [smem:$0x3F9E]  }
0x1a: {  	s8 =	sadd.s32 $0xFFFFE003, lr  }
0x1b: {  	s9 =	sadd.s32 $0xFFFFFEF7, lr;
	s5 =	simm.s32 $0xFFFFFFFF;
	p2 =	slt.u32 s8, $0xFFFFF086  }
0x1c: {  	p1 =	slt.u32 s9, $0xF7A;
	s5 =	simm.s32 @!p2 $0x0  }
0x1d: {  	s5 =	simm.s32 @p1 $0x1;
	p0 =	seq.s32 s7, s2  }
0x1e: {  	s7 =	smul.u32 @!p0 $0xF7A, s2;
	p2 =	seq.s32 @!p0 s5, $0x0  }
0x1f: {  	s9 =	smul.u32 $0xF7A, s1;
	s8 =	simm.s32 @!p0 $0x1BF5;
	p2 =	por !p2, p0  }
0x20: {  	[sflag:s8] =	ssyncset.s32 @!p0 $0xFFFFF086;
	s6 =	sadd.s32 @!p0 s3, s7;
	s7 =	simm.s32 @!p0 $0x108  }
0x21: {  	s3 =	sadd.s32 s3, s9;
	s6 =	sadd.s32 @!p0 $0x88, s6;
	s7 =	simm.s32 @p2 $0x1082  }
0x22: {  	[simem:s7], [sflag:s8] =	dma.local @!p0 [hbm:s6], $0xF7A  }
0x23: {  	s9 =	sor.u32 $0xD0000000, s2;
	s6 =	simm.s32 $0x108;
	_ =	swait.ge @!p0 [sflag:s8], $0x0  }
0x24: {  	s3 =	sadd.s32 $0x88, s3;
	s6 =	simm.s32 @!p1 $0x1082;
	[sflag:s4] =	ssyncset.s32 $0xFFFFF086  }
0x25: {  	[simem:s6], [sflag:s4] =	dma.local [hbm:s3], $0xF7A  }
0x26: {  	[smem:$0x3F9E] =	sst s1;
	(tag) =	ssettag s2;
	_ =	strace s9  }
0x27: {  	s1 =	sld [smem:$0x3FAE]  }
0x28: {  	s2 =	sld [smem:$0x3FAF]  }
0x29: {  	s4 =	sld [smem:$0x3FB1]  }
0x2a: {  	p0 =	seq.s32 s5, $0x0;
	s5 =	sld [smem:$0x3FB2]  }
0x2b: {  	s6 =	sld [smem:$0x3FB3]  }
0x2c: {  	s7 =	sld [smem:$0x3FB4]  }
0x2d: {  	s3 =	simm.s32 $0x108;
	s8 =	sld [smem:$0x3FB5]  }
0x2e: {  	s3 =	simm.s32 @!p0 $0x1082;
	s9 =	sld [smem:$0x3FB6]  }
0x2f: {  	lr =	sadd.s32 s0, s3;
	s0 =	sld [smem:$0x3FAD]  }
0x30: {  	s3 =	sld [smem:$0x3FB0]  }
0x31: {  	[smem:$0x3FB9] =	sst s10  }
0x32: {  	s10 =	sld [smem:$0x3FB7];
	_ =	sdelay $0x3  }
0x33: {  	p0 =	seq.s32 s10, $0x1;
	s10 =	sld [smem:$0x3FB9];
	_ =	sdelay $0x3  }
0x34: {  	[smem:$0x3FB9] =	sst s10  }
0x35: {  	s10 =	sld [smem:$0x3FB8];
	_ =	sdelay $0x3  }
0x36: {  	p1 =	seq.s32 s10, $0x1;
	s10 =	sld [smem:$0x3FB9];
	_ =	sdelay $0x3  }
0x37: {  	[smem:$0x3FB9] =	sst s10  }
0x38: {  	s10 =	sld [smem:$0x3FBA]  }
0x39: {  	_ = 	snop;
	(pc) =	sbr.ind lr, $3  }
0x3a: {  	_ = 	snop  }
0x3b: {  	_ = 	snop  }
0x3c: {  	p2 =	seq.s32 s10, $0x1;
	s10 =	sld [smem:$0x3FB9]  }
0x3d: {  	_ =	shalt  }
0x3e: {  	_ =	shalt  }
0x3f: {  	_ =	shalt  }
0x40: {  	_ =	shalt  }
0x41: {  	_ =	shalt  }
0x42: {  	_ =	shalt  }
0x43: {  	_ =	shalt  }
0x44: {  	_ =	shalt  }
0x45: {  	_ =	shalt  }
0x46: {  	_ =	shalt  }
0x47: {  	_ =	shalt  }
0x48: {  	_ =	shalt  }
0x49: {  	_ =	shalt  }
0x4a: {  	_ =	shalt  }
0x4b: {  	_ =	shalt  }
0x4c: {  	_ =	shalt  }
0x4d: {  	_ =	shalt  }
0x4e: {  	_ =	shalt  }
0x4f: {  	_ =	shalt  }
0x50: {  	_ =	shalt  }
0x51: {  	_ =	shalt  }
0x52: {  	_ =	shalt  }
0x53: {  	_ =	shalt  }
0x54: {  	_ =	shalt  }
0x55: {  	_ =	shalt  }
0x56: {  	_ =	shalt  }
0x57: {  	_ =	shalt  }
0x58: {  	_ =	shalt  }
0x59: {  	_ =	shalt  }
0x5a: {  	_ =	shalt  }
0x5b: {  	_ =	shalt  }
0x5c: {  	_ =	shalt  }
0x5d: {  	_ =	shalt  }
0x5e: {  	_ =	shalt  }
0x5f: {  	_ =	shalt  }
0x60: {  	_ =	shalt  }
0x61: {  	_ =	shalt  }
0x62: {  	_ =	shalt  }
0x63: {  	_ =	shalt  }
0x64: {  	_ =	shalt  }
0x65: {  	_ =	shalt  }
0x66: {  	_ =	shalt  }
0x67: {  	_ =	shalt  }
0x68: {  	_ =	shalt  }
0x69: {  	_ =	shalt  }
0x6a: {  	_ =	shalt  }
0x6b: {  	_ =	shalt  }
0x6c: {  	_ =	shalt  }
0x6d: {  	_ =	shalt  }
0x6e: {  	_ =	shalt  }
0x6f: {  	_ =	shalt  }
0x70: {  	_ =	shalt  }
0x71: {  	_ =	shalt  }
0x72: {  	_ =	shalt  }
0x73: {  	_ =	shalt  }
0x74: {  	_ =	shalt  }
0x75: {  	_ =	shalt  }
0x76: {  	_ =	shalt  }
0x77: {  	_ =	shalt  }
0x78: {  	_ =	shalt  }
0x79: {  	_ =	shalt  }
0x7a: {  	_ =	shalt  }
0x7b: {  	_ =	shalt  }
0x7c: {  	_ =	shalt  }
0x7d: {  	_ =	shalt  }
0x7e: {  	_ =	shalt  }
0x7f: {  	_ =	shalt  }
0x80: {  	_ =	shalt  }
0x81: {  	_ =	shalt  }
0x82: {  	_ =	shalt  }
0x83: {  	_ =	shalt  }
0x84: {  	_ =	shalt  }
0x85: {  	_ =	shalt  }
0x86: {  	_ =	shalt  }
0x87: {  	_ =	shalt  }
.Lfunc_end0:
.L_simem_size_0:
called_computation.1_lowered:
.L_overlay_start_0:
0x88: {  	s2 =	sld [smem:$0x3FD9]  }
0x89: {  	s3 =	sld [smem:$0x3FFE];
	_ =	sdelay $0x1  }
0x8a: {  	s1 =	srdreg.scid  }
0x8b: {  	s0 =	sand.u32 $0x1, s1  }
0x8c: {  	s17 =	sshll.u32 s0, $0xA;
	s2 =	sadd.s32 s3, s2  }
0x8d: {  	s2 =	sadd.s32 s2, s17  }
0x8e: {  	[smem:$0x3FC5] =	sst s2  }
0x8f: {  	_ = 	snop  }
0x90: {  	s2 =	sld [smem:$0x3FC9]  }
0x91: {  	s18 =	sld [smem:$0x3FC8];
	(tm) =	ssettm $0x1  }
0x92: {  	s4 =	sld [smem:$0x3FFB];
	_ =	sdelay $0x3  }
0x93: {  	_ =	strace s4  }
0x94: {  	s4 =	sld [smem:$0x3FFC];
	_ =	sdelay $0x3  }
0x95: {  	_ =	strace s4  }
0x96: {  	s4 =	sld [smem:$0x3FFD];
	_ =	sdelay $0x3  }
0x97: {  	_ =	strace s4  }
0x98: {  	_ =	strace $0x8FFFFFFF  }
0x99: {  	s19 =	sld [smem:$0x3FDB];
	_ =	sdelay $0x1  }
0x9a: {  	s5 =	simm.s32 $_scs_section_size  }
0x9b: {  	s6 =	simm.s32 $_size__tile_overlayer_lowered;
	s7 =	simm.s32 $_tile_overlayer_lowered  }
0x9c: {  	s22 =	simm.s32 $0x1BFF;
	s21 =	sshll.u32 s7, $0x1;
	s4 =	sadd.s32 s5, s19  }
0x9d: {  	s8 =	simm.s32 $0x0;
	s20 =	sshll.u32 s6, $0x1;
	s6 =	sadd.s32 s21, s4  }
0x9e: {  	[timem:s8], [sflag:s22] =	dma.local [hbm:s6], s20  }
0x9f: {  	_ =	swait.ge [sflag:s22], s20  }
0xa0: {  	s5 =	ssub.s32 $0x0, s20;
	[sflag:s22] =	ssyncset.done $0x0  }
0xa1: {  	[sflag:s22] =	ssyncadd.s32 s5;
	_ =	sdelay $0x1  }
0xa2: {  	s23 =	simm.s32 $0x1B8B  }
0xa3: {  	_ =	swait.ge [sflag:s23], $0x1  }
0xa4: {  	[sflag:s23] =	ssyncset.done $0x0  }
0xa5: {  	s25 =	simm.s32 $0x1B8E;
	s24 =	sld [smem:$0x3FFE];
	[sflag:s23] =	ssyncadd.s32 $0xFFFFFFFF  }
0xa6: {  	s26 =	simm.s32 $execute0_lowered;
	[smem:$0x3FD2] =	sst s25  }
0xa7: {  	s6 =	sshll.u32 s26, $0x1;
	_ =	strace $0x80000046;
	[dreg:$0x1] =	wrdreg $0xFFFFFFFF  }
0xa8: {  	s28 =	simm.s32 $_size_execute0_lowered;
	s4 =	sadd.s32 s4, s6;
	[dreg:$0x0] =	wrdreg $0x0  }
0xa9: {  	s6 =	sshll.u32 s28, $0x1;
	[dreg:$0x2] =	wrdreg s4  }
0xaa: {  	[dreg:$0x3] =	wrdreg s6  }
0xab: {  	[dreg:$0x4] =	wrdreg $0xC0  }
0xac: {  	_ =	task [dreg:s8], $0x5FFFF  }
0xad: {  	[dreg:$0x1] =	wrdreg $0xFFFFFFFF  }
0xae: {  	[dreg:$0x0] =	wrdreg $0x60  }
0xaf: {  	[dreg:$0x2] =	wrdreg s2  }
0xb0: {  	[dreg:$0x3] =	wrdreg s18  }
0xb1: {  	[dreg:$0x4] =	wrdreg s24  }
0xb2: {  	[dreg:$0x5] =	wrdreg $0x9  }
0xb3: {  	_ =	task.clear_ibuf [dreg:s8], $0x6FFFF;
	_ =	strace $0x90000046  }
0xb4: {  	s29 =	simm.s32 $0x9;
	_ =	strace $0x80000048  }
0xb5: {  	_ =	swait.ge [sflag:s29], $0x1  }
0xb6: {  	[sflag:s29] =	ssyncadd.s32 $0xFFFFFFFF  }
0xb7: {  	_ =	strace $0x90000048  }
0xb8: {  	_ =	sfence  }
0xb9: {  	s30 =	sld [smem:$0x0];
	_ =	sdelay $0x2  }
0xba: {  	s31 =	sshll.u32 s1, $0xD;
	s1 =	sshrl.u32 s1, $0x2  }
0xbb: {  	s3 =	sand.u32 $0x4000, s31;
	s1 =	sadd.s32 s1, s30  }
0xbc: {  	s0 =	sor.u32 s3, s0;
	s1 =	sshll.u32 s1, $0x11  }
0xbd: {  	s0 =	sor.u32 s1, s0  }
0xbe: {  	s0 =	sadd.s32 $0x8F2B, s0  }
0xbf: {  	[sflag:s0] =	ssyncadd.remote.s32 $0x1  }
0xc0: {  	_ =	sfence.sel $0xFFFF  }
0xc1: {  	[dreg:$0x0] =	wrdreg $0xFFFFFFFF;
	(pc) =	sbr.abs _section_cstart, $3  }
0xc2: {  	[dreg:$0x1] =	wrdreg $0xFFFFFFFF  }
0xc3: {  	_ =	task.clear_ibuf [dreg:s8], $0x2FFFF;
	_ =	strace $0x9FFFFFFF  }
0xc4: {  	(tm) =	ssettm $0x7FFFFFFF  }
0xc5: {  	_ =	shalt  }
tec
execute0_lowered:
.L_overlay_start_1:
0x0: {  	(tag) =	ssettag $0x1  }
0x1: {  	s0 =	rddreg [dreg:$0x0]  }
0x2: {  	s1 =	rddreg [dreg:$0x1]  }
0x3: {  	s4 =	rddreg [dreg:$0x2]  }
0x4: {  	s2 =	simm.s32 $0x0;
	s5 =	srdreg.scid;
	s9 =	stileid.u32  }
0x5: {  	s15 =	simm.s32 $0x80;
	s16 =	simm.s32 $0x200;
	s17 =	simm.s32 $0x1  }
0x6: {  	s18 =	simm.s32 $0xE000;
	s28 =	simm.s32 $0x16460;
	s29 =	simm.s32 $0x16470  }
0x7: {  	s30 =	simm.s32 $0xE300;
	s31 =	simm.s32 $0x14400;
	[smem:$0x7FF] =	sst s2  }
0x8: {  	s3 =	sadd.s32 $0x600, s4;
	s5 =	sand.u32 $0x1, s5;
	s6 =	sshll.u32 s9, $0x1  }
0x9: {  	s4 =	sadd.s32 $0x40600, s4;
	s20 =	sshll.u32 s9, $0x5;
	s6 =	sand.u32 $0x6, s6  }
0xa: {  	_ =	strace $0x80000047;
	s7 =	ssub.s32 $0x2, s5;
	s6 =	sor.u32 s5, s6  }
0xb: {  	s8 =	sshrl.u32 s7, $0x1;
	s5 =	sand.u32 $0x180, s20;
	s21 =	sshll.u32 s6, $0xA  }
0xc: {  	s6 =	sshll.u32 s6, $0xF;
	s10 =	ssub.s32 s7, s8;
	s23 =	sshrl.u32 s5, $0x3  }
0xd: {  	s22 =	sor.u32 s5, s21;
	s6 =	sor.u32 s5, s6;
	s0 =	sadd.s32 s0, s23  }
0xe: {  	s14 =	smax.u32 s10, $0x1;
	s21 =	simm.s32 $0x16400;
	s23 =	simm.s32 $0x16420  }
0xf: {  	s7 =	sshrl.u32 s22, $0x3;
	s24 =	sshrl.u32 s6, $0x3;
	[dreg:$0x4] =	wrdreg s0  }
0x10: {  	s13 =	sor.u32 $0xC0000, s6;
	s22 =	simm.s32 $0x16410;
	s0 =	simm.s32 $0x12400  }
0x11: {  	s7 =	sadd.s32 s1, s7;
	s8 =	sadd.s32 s4, s24;
	s24 =	simm.s32 $0x16430  }
0x12: {  	s1 =	simm.s32 $0x0;
	s25 =	sadd.s32 $0x400, s7;
	s26 =	sadd.s32 $0x800, s7  }
0x13: {  	s11 =	sadd.s32 $0x8000, s8;
	s12 =	sadd.s32 $0x10000, s8;
	[dreg:$0x5] =	wrdreg s25  }
0x14: {  	v0 =	vlaneseq.u32;
	[dreg:$0x6] =	wrdreg s26;
	s25 =	simm.s32 $0x16440;
	s26 =	simm.s32 $0x16450  }
.LBB2_1:
0x15: {  	s6 =	rddreg [dreg:$0x4]  }
0x16: {  	[tilespmem:s2], [sflag:$0x1] =	stream.strided.gather [hbm4b:s6+s15], $0x6000, s16, s15, $0x38;
	[tilespmem:$0x16480] =	vst v63  }
0x17: {  	_ =	swait.ge [sflag:s17], $0x6000  }
0x18: {  	[sflag:s17] =	ssyncset.done $0x0  }
0x19: {  	[sflag:s17] =	ssyncadd.s32 $0xFFFFA000  }
0x1a: {  	[tilespmem:s18], [sflag:$0x1] =	stream.strided.gather [hbm4b:s7+s15], $0x100, s16, s15, $0x38;
	[tilespmem:$0x16480] =	vst v63  }
0x1b: {  	_ =	swait.ge [sflag:s17], $0x100  }
0x1c: {  	[sflag:s17] =	ssyncset.done $0x0  }
0x1d: {  	s9 =	simm.s32 $0xE100;
	s10 =	rddreg [dreg:$0x5];
	[sflag:s17] =	ssyncadd.s32 $0xFFFFFF00  }
0x1e: {  	[tilespmem:s9], [sflag:$0x1] =	stream.strided.gather [hbm4b:s10+s15], $0x100, s16, s15, $0x38;
	[tilespmem:$0x16480] =	vst v63  }
0x1f: {  	_ =	swait.ge [sflag:s17], $0x100  }
0x20: {  	[sflag:s17] =	ssyncset.done $0x0  }
0x21: {  	s20 =	simm.s32 $0xE200;
	s19 =	rddreg [dreg:$0x6];
	[sflag:s17] =	ssyncadd.s32 $0xFFFFFF00  }
0x22: {  	[tilespmem:s20], [sflag:$0x1] =	stream.strided.gather [hbm4b:s19+s15], $0x100, s16, s15, $0x38;
	[tilespmem:$0x16480] =	vst v63  }
0x23: {  	_ =	swait.ge [sflag:s17], $0x100  }
0x24: {  	[sflag:s17] =	ssyncset.done $0x0  }
0x25: {  	s9 =	simm.s32 $0x0;
	[sflag:s17] =	ssyncadd.s32 $0xFFFFFF00  }
0x26: {  	v1 =	vld [tilespmem:s9+$0x0]  }
0x27: {  	v2 =	vld [tilespmem:s9+$0x2000]  }
0x28: {  	v5 =	vld [tilespmem:s9+$0x4000];
	_ =	sdelay $0x3  }
0x29: {  	s6 =	simm.s32 $0x10;
	v4 =	vmul.f32 v1, v1;
	v6 =	vmul.f32 v2, v2;
	v7 =	vshrl.u32 v1, $0x10  }
0x2a: {  	v3 =	vld [tilespmem:s6+$0x0];
	v8 =	vshrl.u32 v2, $0x10;
	v9 =	vmul.f32 v5, v5;
	v10 =	vshrl.u32 v5, $0x10  }
0x2b: {  	v7 =	vand.u32 $0x1, v7;
	v8 =	vand.u32 $0x1, v8;
	v6 =	vadd.f32 v6, v4;
	v4 =	vld [tilespmem:s6+$0x2000]  }
0x2c: {  	v1 =	vadd.s32 v7, v1;
	v7 =	vadd.s32 v8, v2;
	v8 =	vand.u32 $0x1, v10  }
0x2d: {  	v2 =	vld [tilespmem:s6+$0x4000];
	v1 =	vadd.s32 $0x7FFF, v1;
	v5 =	vadd.s32 v8, v5  }
0x2e: {  	v7 =	vadd.s32 $0x7FFF, v7;
	v6 =	vadd.f32 v9, v6;
	v1 =	vand.u32 $0xFFFF0000, v1  }
0x2f: {  	v8 =	vshrl.u32 v3, $0x10;
	v5 =	vadd.s32 $0x7FFF, v5;
	v10 =	vand.u32 $0xFFFF0000, v7;
	[tilespmem:s9+$0x6000] =	vst v1  }
0x30: {  	s10 =	simm.s32 $0x20;
	[tilespmem:s9+$0xC000] =	vst v6;
	v6 =	vmul.f32 v3, v3;
	v7 =	vshrl.u32 v4, $0x10;
	v9 =	vmul.f32 v4, v4  }
0x31: {  	s19 =	simm.s32 $0xC0;
	v8 =	vand.u32 $0x1, v8;
	v5 =	vand.u32 $0xFFFF0000, v5;
	v1 =	vld [tilespmem:s10+$0x0];
	[tilespmem:s9+$0x8000] =	vst v10;
	v7 =	vand.u32 $0x1, v7  }
.LBB2_2:
0x32: {  	p0 =	sne.s32 s19, $0x7FC0;
	v10 =	vld [tilespmem:s10+$0x2000];
	v11 =	vshrl.u32 v2, $0x10;
	v6 =	vadd.f32 v9, v6;
	v9 =	vmul.f32 v2, v2;
	[tilespmem:s9+$0xA000] =	vst v5;
	s9 =	smov.u32 s6;
	s6 =	smov.u32 s10  }
0x33: {  	v3 =	vadd.s32 v8, v3;
	v4 =	vadd.s32 v7, v4;
	v5 =	vand.u32 $0x1, v11  }
.Ltmp0:
0x34: {  	v12 =	vadd.s32 $0x7FFF, v3;
	v5 =	vadd.s32 v5, v2;
	v2 =	vld [tilespmem:s6+$0x4000];
	v6 =	vadd.f32 v9, v6;
	(pc) =	sbr.rel @p0 .LBB2_2-.Ltmp0, $4  }
0x35: {  	v7 =	vand.u32 $0xFFFF0000, v12;
	v9 =	vadd.s32 $0x7FFF, v4;
	v13 =	vadd.s32 $0x7FFF, v5  }
0x36: {  	v11 =	vand.u32 $0xFFFF0000, v9;
	v8 =	vshrl.u32 v1, $0x10;
	v5 =	vand.u32 $0xFFFF0000, v13;
	[tilespmem:s9+$0xC000] =	vst v6;
	v3 =	vmovc v1  }
0x37: {  	s10 =	sshra.s32 s19, $0x2;
	v12 =	vshrl.u32 v10, $0x10;
	v6 =	vmul.f32 v1, v3;
	v9 =	vmul.f32 v10, v10;
	[tilespmem:s9+$0x6000] =	vst v7;
	v4 =	vmovc v10  }
0x38: {  	s19 =	sadd.s32 $0x40, s19;
	v8 =	vand.u32 $0x1, v8;
	v1 =	vld [tilespmem:s10+$0x0];
	v7 =	vand.u32 $0x1, v12;
	[tilespmem:s9+$0x8000] =	vst v11  }
0x39: {  	v10 =	vld [tilespmem:s10+$0x2000];
	v11 =	vshrl.u32 v2, $0x10;
	v6 =	vadd.f32 v9, v6;
	[tilespmem:s9+$0xA000] =	vst v5;
	v53 =	vmul.f32 v2, v2  }
0x3a: {  	v3 =	vadd.s32 v8, v3;
	v4 =	vadd.s32 v7, v4;
	s19 =	simm.s32 $0x0;
	v54 =	vand.u32 $0x1, v11;
	v55 =	vld [tilespmem:s10+$0x4000]  }
0x3b: {  	v3 =	vadd.s32 $0x7FFF, v3;
	v4 =	vadd.s32 $0x7FFF, v4;
	v63 =	vmov s19  }
0x3c: {  	v2 =	vadd.s32 v54, v2;
	v5 =	vadd.f32 v53, v6;
	v3 =	vand.u32 $0xFFFF0000, v3  }
0x3d: {  	v4 =	vand.u32 $0xFFFF0000, v4;
	v2 =	vadd.s32 $0x7FFF, v2;
	v56 =	vmul.f32 v1, v1  }
0x3e: {  	v58 =	vshrl.u32 v1, $0x10;
	v2 =	vand.u32 $0xFFFF0000, v2;
	v57 =	vmul.f32 v10, v10  }
0x3f: {  	[tilespmem:s6+$0x6000] =	vst v3;
	v59 =	vshrl.u32 v10, $0x10;
	v3 =	vand.u32 $0x1, v58;
	v60 =	vmul.f32 v55, v55  }
0x40: {  	[tilespmem:s6+$0xC000] =	vst v5;
	v5 =	vand.u32 $0x1, v59;
	v61 =	vshrl.u32 v55, $0x10;
	v1 =	vadd.s32 v3, v1  }
0x41: {  	[tilespmem:s6+$0xA000] =	vst v2;
	v6 =	vadd.f32 v57, v56;
	v2 =	vadd.s32 v5, v10;
	v1 =	vadd.s32 $0x7FFF, v1  }
0x42: {  	[tilespmem:s6+$0x8000] =	vst v4;
	v3 =	vand.u32 $0x1, v61;
	v1 =	vand.u32 $0xFFFF0000, v1;
	v2 =	vadd.s32 $0x7FFF, v2  }
0x43: {  	v3 =	vadd.s32 v3, v55;
	v62 =	vadd.f32 v60, v6;
	v2 =	vand.u32 $0xFFFF0000, v2;
	[tilespmem:s10+$0x6000] =	vst v1  }
0x44: {  	v3 =	vadd.s32 $0x7FFF, v3;
	v1 =	vshra.s32 v63, $0x5;
	[tilespmem:s10+$0x8000] =	vst v2  }
0x45: {  	v3 =	vand.u32 $0xFFFF0000, v3;
	v1 =	vbroadcast v1, $0x0;
	[tilespmem:s10+$0xC000] =	vst v62  }
0x46: {  	s6 =	simm.s32 $0x10400;
	[tilespmem:s10+$0xA000] =	vst v3  }
0x47: {  	s9 =	simm.s32 $0x10;
	[tilespmem:s6+$0x0] =	vst v1  }
.LBB2_4:
0x48: {  	p0 =	sne.s32 s9, $0x1FF0  }
.Ltmp1:
0x49: {  	v1 =	vmov s9;
	s9 =	sadd.s32 $0x10, s9;
	(pc) =	sbr.rel @p0 .LBB2_4-.Ltmp1, $4  }
0x4a: {  	v1 =	vshra.s32 v1, $0x5  }
0x4b: {  	v1 =	vbroadcast v1, $0x0  }
0x4c: {  	s6 =	sadd.s32 $0x10, s6  }
0x4d: {  	[tilespmem:s6+$0x0] =	vst v1  }
.LBB2_5:
0x4e: {  	v1 =	vmov s19  }
0x4f: {  	v2 =	vor.u32 $0x100, v1  }
0x50: {  	v3 =	vor.u32 $0x200, v1;
	_ =	sdelay $0x2  }
0x51: {  	v1 =	vld.idx.msk [tilespmem:v1+s18+$0x0], $0xffff  }
0x52: {  	v2 =	vld.idx.msk [tilespmem:v2+s18+$0x0], $0xffff  }
0x53: {  	v3 =	vld.idx.msk [tilespmem:v3+s18+$0x0], $0xffff;
	_ =	sdelay $0x2  }
0x54: {  	v4 =	vshrl.u32 v1, $0x10  }
0x55: {  	v4 =	vand.u32 $0x1, v4  }
0x56: {  	v5 =	vshrl.u32 v2, $0x10;
	v6 =	vshrl.u32 v3, $0x10;
	v7 =	vmul.f32 v2, v2  }
0x57: {  	v4 =	vadd.s32 v4, v1;
	v5 =	vand.u32 $0x1, v5;
	v1 =	vmul.f32 v1, v1  }
0x58: {  	v4 =	vadd.s32 $0x7FFF, v4;
	v2 =	vadd.s32 v5, v2;
	v5 =	vand.u32 $0x1, v6  }
0x59: {  	v5 =	vadd.s32 v5, v3;
	v6 =	vadd.f32 v7, v1;
	v7 =	vmul.f32 v3, v3  }
0x5a: {  	s20 =	sshll.u32 s19, $0x5;
	v1 =	vand.u32 $0xFFFF0000, v4;
	v2 =	vadd.s32 $0x7FFF, v2;
	v3 =	vadd.s32 $0x7FFF, v5  }
0x5b: {  	v2 =	vand.u32 $0xFFFF0000, v2;
	v5 =	vmov s20;
	v3 =	vand.u32 $0xFFFF0000, v3  }
0x5c: {  	s6 =	simm.s32 $0x0;
	s9 =	simm.s32 $0x0;
	v4 =	vadd.f32 v7, v6;
	v6 =	vor.u32 s20, v0;
	v7 =	vimm.s32 $0x0  }
.LBB2_6:
0x5d: {  	s10 =	sshra.s32 s6, $0x2  }
0x5e: {  	v8 =	vld [tilespmem:s10+$0x6000]  }
0x5f: {  	v9 =	vld [tilespmem:s10+$0x8000]  }
0x60: {  	v12 =	vld [tilespmem:s10+$0x6010]  }
0x61: {  	v13 =	vld [tilespmem:s10+$0x8010]  }
0x62: {  	v10 =	vld [tilespmem:s10+$0xA000]  }
0x63: {  	v16 =	vld [tilespmem:s10+$0xA010];
	_ =	sdelay $0x1  }
0x64: {  	v8 =	vmul.f32 v1, v8;
	v9 =	vmul.f32 v2, v9  }
0x65: {  	v12 =	vmul.f32 v1, v12;
	v13 =	vmul.f32 v2, v13  }
0x66: {  	v10 =	vmul.f32 v3, v10;
	v11 =	vadd.f32 v9, v8  }
0x67: {  	v16 =	vmul.f32 v3, v16;
	v46 =	vadd.f32 v13, v12  }
0x68: {  	v45 =	vld [tilespmem:s10+$0xC000];
	v14 =	vsub.f32 v11, v8;
	v15 =	vadd.f32 v10, v11  }
0x69: {  	v50 =	vsub.f32 v46, v12;
	v19 =	vadd.f32 v16, v46  }
0x6a: {  	v17 =	vsub.f32 v11, v14;
	v18 =	vsub.f32 v15, v11  }
0x6b: {  	v47 =	vld [tilespmem:s10+$0x6020];
	v9 =	vsub.f32 v9, v14;
	v20 =	vsub.f32 v46, v50  }
0x6c: {  	v49 =	vld [tilespmem:s10+$0x8020];
	v21 =	vsub.f32 v19, v46;
	v44 =	vsub.f32 v15, v18  }
0x6d: {  	v54 =	vld [tilespmem:s10+$0xC010];
	v14 =	vadd.f32 v45, v4;
	v8 =	vsub.f32 v8, v17  }
0x6e: {  	v51 =	vld [tilespmem:s10+$0xA020];
	v10 =	vsub.f32 v10, v18;
	v11 =	vsub.f32 v11, v44  }
0x6f: {  	v12 =	vsub.f32 v12, v20;
	v52 =	vsub.f32 v19, v21  }
0x70: {  	v53 =	vmul.f32 v1, v47;
	v8 =	vadd.f32 v8, v9;
	v48 =	vadd.f32 v11, v10  }
0x71: {  	v16 =	vsub.f32 v16, v21;
	v11 =	vsub.f32 v13, v50;
	v10 =	vmul.f32 v2, v49  }
0x72: {  	v17 =	vadd.f32 v54, v4;
	v8 =	vadd.f32 v48, v8  }
0x73: {  	v55 =	vld [tilespmem:s10+$0x6030];
	v9 =	vmul.f32 v3, v51;
	v18 =	vadd.f32 v10, v53;
	v11 =	vadd.f32 v12, v11  }
0x74: {  	v57 =	vld [tilespmem:s10+$0x8030];
	v8 =	vadd.f32 v8, v15;
	v15 =	vsub.f32 v46, v52  }
0x75: {  	v58 =	vsub.f32 v18, v53;
	v59 =	vadd.f32 v9, v18  }
0x76: {  	v60 =	vld [tilespmem:s10+$0xA030];
	v8 =	vadd.f32 v8, v8;
	v56 =	vadd.f32 v15, v16  }
0x77: {  	v24 =	vld [tilespmem:s10+$0xC020];
	v61 =	vsub.f32 v18, v58;
	v22 =	vsub.f32 v59, v18  }
0x78: {  	v26 =	vld [tilespmem:s10+$0x6040];
	v63 =	vmul.f32 v1, v55;
	v10 =	vsub.f32 v10, v58;
	v8 =	vsub.f32 v14, v8  }
0x79: {  	v34 =	vld [tilespmem:s10+$0xC030];
	v15 =	vmul.f32 v2, v57;
	v11 =	vadd.f32 v56, v11;
	v13 =	vsub.f32 v53, v61  }
0x7a: {  	v27 =	vld [tilespmem:s10+$0x8040];
	v62 =	vsub.f32 v59, v22;
	v9 =	vsub.f32 v9, v22  }
0x7b: {  	v12 =	vmul.f32 v3, v60;
	v25 =	vadd.f32 v15, v63;
	v11 =	vadd.f32 v11, v19  }
0x7c: {  	v14 =	vsub.f32 v18, v62;
	v10 =	vadd.f32 v13, v10  }
0x7d: {  	v28 =	vsub.f32 v25, v63;
	v29 =	vadd.f32 v12, v25  }
0x7e: {  	v33 =	vmul.f32 v1, v26;
	v18 =	vadd.f32 v24, v4;
	v19 =	vadd.f32 v34, v4  }
0x7f: {  	v30 =	vld [tilespmem:s10+$0xA040];
	v13 =	vmul.f32 v2, v27;
	v11 =	vadd.f32 v11, v11;
	v9 =	vadd.f32 v14, v9  }
0x80: {  	v26 =	vld [tilespmem:s10+$0x6070];
	v31 =	vsub.f32 v25, v28;
	v23 =	vsub.f32 v29, v25  }
0x81: {  	v50 =	vld [tilespmem:s10+$0x8070];
	v14 =	vsub.f32 v15, v28;
	v20 =	vadd.f32 v13, v33  }
0x82: {  	v35 =	vld [tilespmem:s10+$0x6050];
	v11 =	vsub.f32 v17, v11;
	v9 =	vadd.f32 v9, v10  }
0x83: {  	v36 =	vld [tilespmem:s10+$0x8050];
	v16 =	vsub.f32 v63, v31;
	v32 =	vsub.f32 v29, v23  }
0x84: {  	v53 =	vld [tilespmem:s10+$0xA070];
	v12 =	vsub.f32 v12, v23;
	v10 =	vmul.f32 v3, v30;
	v37 =	vsub.f32 v20, v33  }
0x85: {  	v56 =	vmul.f32 v1, v26;
	v9 =	vadd.f32 v9, v59;
	v17 =	vsub.f32 v25, v32  }
0x86: {  	v23 =	vmul.f32 v2, v50;
	v14 =	vadd.f32 v16, v14;
	v38 =	vadd.f32 v10, v20  }
0x87: {  	v42 =	vmul.f32 v1, v35;
	v40 =	vsub.f32 v20, v37;
	v13 =	vsub.f32 v13, v37  }
0x88: {  	v16 =	vmul.f32 v2, v36;
	v26 =	vadd.f32 v23, v56;
	v9 =	vadd.f32 v9, v9  }
0x89: {  	v22 =	vmul.f32 v3, v53;
	v12 =	vadd.f32 v17, v12;
	v24 =	vsub.f32 v38, v20  }
0x8a: {  	v39 =	vld [tilespmem:s10+$0xA050];
	v15 =	vsub.f32 v33, v40;
	v21 =	vadd.f32 v16, v42  }
0x8b: {  	v44 =	vld [tilespmem:s10+$0x6060];
	v60 =	vadd.f32 v22, v26;
	v28 =	vsub.f32 v26, v56  }
0x8c: {  	v45 =	vld [tilespmem:s10+$0x8060];
	v9 =	vsub.f32 v18, v9;
	v12 =	vadd.f32 v12, v14  }
0x8d: {  	v43 =	vld [tilespmem:s10+$0xC040];
	v41 =	vsub.f32 v38, v24;
	v10 =	vsub.f32 v10, v24  }
0x8e: {  	v13 =	vadd.f32 v15, v13;
	v46 =	vsub.f32 v21, v42  }
0x8f: {  	v14 =	vmul.f32 v3, v39;
	v61 =	vsub.f32 v60, v26;
	v62 =	vsub.f32 v26, v28  }
0x90: {  	v52 =	vmul.f32 v1, v44;
	v23 =	vsub.f32 v23, v28;
	v12 =	vadd.f32 v12, v29  }
0x91: {  	v15 =	vmul.f32 v2, v45;
	v18 =	vsub.f32 v20, v41;
	v47 =	vadd.f32 v14, v21  }
0x92: {  	v28 =	vld [tilespmem:s10+$0xC060];
	v49 =	vsub.f32 v21, v46;
	v20 =	vadd.f32 v43, v4  }
0x93: {  	v48 =	vld [tilespmem:s10+$0xA060];
	v16 =	vsub.f32 v16, v46;
	v54 =	vadd.f32 v15, v52  }
0x94: {  	v63 =	vsub.f32 v60, v61;
	v12 =	vadd.f32 v12, v12  }
0x95: {  	v10 =	vadd.f32 v18, v10;
	v25 =	vsub.f32 v47, v21  }
0x96: {  	v17 =	vsub.f32 v42, v49;
	v55 =	vsub.f32 v54, v52  }
0x97: {  	v24 =	vsub.f32 v26, v63;
	v36 =	vadd.f32 v28, v4  }
0x98: {  	v29 =	vld [tilespmem:s10+$0xC050];
	v12 =	vsub.f32 v19, v12;
	v10 =	vadd.f32 v10, v13;
	v13 =	vmul.f32 v3, v48  }
0x99: {  	v51 =	vsub.f32 v47, v25;
	v14 =	vsub.f32 v14, v25  }
0x9a: {  	v16 =	vadd.f32 v17, v16;
	v57 =	vadd.f32 v13, v54  }
0x9b: {  	v58 =	vsub.f32 v54, v55;
	v15 =	vsub.f32 v15, v55  }
0x9c: {  	v17 =	vsub.f32 v22, v61;
	v59 =	vsub.f32 v57, v54  }
0x9d: {  	v32 =	vadd.f32 v29, v4;
	v10 =	vadd.f32 v10, v38  }
0x9e: {  	v19 =	vsub.f32 v21, v51;
	v27 =	vsub.f32 v57, v59  }
0x9f: {  	v31 =	vld [tilespmem:s10+$0xC070];
	v18 =	vsub.f32 v52, v58;
	v17 =	vadd.f32 v24, v17  }
0xa0: {  	v13 =	vsub.f32 v13, v59;
	v21 =	vsub.f32 v54, v27  }
0xa1: {  	v14 =	vadd.f32 v19, v14;
	v19 =	vsub.f32 v56, v62  }
0xa2: {  	vm3 =	vlt.f32 v8, $3.999999910e-02;
	v8 =	vadd.f32 v18, v15;
	v13 =	vadd.f32 v21, v13  }
0xa3: {  	v34 =	vor.u32 s9, v0;
	v14 =	vadd.f32 v14, v16;
	v30 =	vadd.f32 v19, v23  }
0xa4: {  	vm2 =	vlt.f32 v11, $3.999999910e-02;
	v38 =	vadd.f32 v31, v4;
	v8 =	vadd.f32 v13, v8  }
0xa5: {  	vm1 =	vlt.f32 v9, $3.999999910e-02;
	s10 =	sadd.s32 $0x10, s9;
	v14 =	vadd.f32 v14, v47;
	v11 =	vadd.f32 v17, v30  }
0xa6: {  	v35 =	vor.u32 s10, v0;
	s10 =	sadd.s32 $0x20, s9;
	v10 =	vadd.f32 v10, v10;
	v8 =	vadd.f32 v8, v57  }
0xa7: {  	[tilespmem:s21+$0x0] =	vst.msk vm3, v34;
	v37 =	vor.u32 s10, v0;
	s10 =	sadd.s32 $0x30, s9;
	v33 =	vadd.f32 v14, v14;
	v11 =	vadd.f32 v11, v60  }
0xa8: {  	[tilespmem:s22+$0x0] =	vst.msk vm2, v35;
	v39 =	vor.u32 s10, v0;
	v10 =	vsub.f32 v20, v10;
	v8 =	vadd.f32 v8, v8  }
0xa9: {  	[tilespmem:s23+$0x0] =	vst.msk vm1, v37;
	s10 =	sadd.s32 $0x40, s9;
	vm0 =	vlt.f32 v12, $3.999999910e-02;
	v9 =	vsub.f32 v32, v33;
	v11 =	vadd.f32 v11, v11  }
0xaa: {  	v40 =	vor.u32 s10, v0;
	s10 =	sadd.s32 $0x50, s9;
	[tilespmem:s24+$0x0] =	vst.msk vm0, v39;
	vm4 =	vlt.f32 v10, $3.999999910e-02;
	v8 =	vsub.f32 v36, v8  }
0xab: {  	v42 =	vor.u32 s10, v0;
	s10 =	sadd.s32 $0x60, s9;
	[tilespmem:s25+$0x0] =	vst.msk vm4, v40;
	vm5 =	vlt.f32 v9, $3.999999910e-02;
	v41 =	vsub.f32 v38, v11  }
0xac: {  	v43 =	vor.u32 s10, v0;
	s10 =	sadd.s32 $0x70, s9;
	[tilespmem:s26+$0x0] =	vst.msk vm5, v42;
	vm6 =	vlt.f32 v8, $3.999999910e-02;
	v8 =	vmpcnt.ones.xlane vm3  }
0xad: {  	v44 =	vor.u32 s10, v0;
	vm11 =	vlt.f32 v41, $3.999999910e-02;
	[tilespmem:s28+$0x0] =	vst.msk vm6, v43  }
0xae: {  	[tilespmem:s29+$0x0] =	vst.msk vm11, v44;
	vm7 =	vgt.s32 v8, v0  }
0xaf: {  	v45 =	vadd.s32 v7, v6;
	v9 =	vld [tilespmem:$0x16400];
	_ =	sdelay $0x2  }
0xb0: {  	v46 =	vmpcnt.ones.xlane vm2;
	_ =	sdelay $0x1  }
0xb1: {  	vm2 =	vgt.s32 v46, v0;
	v7 =	vadd.s32 v7, v8;
	[tilespmem:v45+s30+$0x0] =	vst.idx.msk vm7, v9  }
0xb2: {  	v47 =	vadd.s32 v7, v6;
	v8 =	vld [tilespmem:$0x16410];
	_ =	sdelay $0x2  }
0xb3: {  	v48 =	vmpcnt.ones.xlane vm1;
	_ =	sdelay $0x1  }
0xb4: {  	vm1 =	vgt.s32 v48, v0;
	v7 =	vadd.s32 v7, v46;
	[tilespmem:v47+s30+$0x0] =	vst.idx.msk vm2, v8  }
0xb5: {  	v49 =	vadd.s32 v7, v6;
	v8 =	vld [tilespmem:$0x16420]  }
0xb6: {  	v50 =	vmpcnt.ones.xlane vm0  }
0xb7: {  	v51 =	vmpcnt.ones.xlane vm4;
	v7 =	vadd.s32 v7, v48  }
0xb8: {  	v52 =	vmpcnt.ones.xlane vm5;
	v53 =	vadd.s32 v7, v50  }
0xb9: {  	v54 =	vmpcnt.ones.xlane vm6;
	v55 =	vadd.s32 v53, v51  }
0xba: {  	v56 =	vmpcnt.ones.xlane vm11;
	[tilespmem:v49+s30+$0x0] =	vst.idx.msk vm1, v8;
	v8 =	vadd.s32 v55, v52  }
0xbb: {  	v58 =	vadd.s32 v8, v54  }
0xbc: {  	v57 =	vadd.s32 v7, v6;
	v7 =	vadd.s32 v58, v56  }
0xbd: {  	v59 =	vxor.u32 $0x80000000, v7  }
0xbe: {  	vm0 =	vgt.s32 v50, v0;
	(xrf0) =	vmax.scan.msk.u32 $0xffff, v59  }
0xbf: {  	v9 =	vld [tilespmem:$0x16430];
	_ =	sdelay $0x4  }
0xc0: {  	vm12 =	vgt.s32 v51, v0;
	[tilespmem:v57+s30+$0x0] =	vst.idx.msk vm0, v9;
	v61, _, _ =	vpop (xrf0)  }
0xc1: {  	v60 =	vadd.s32 v53, v6;
	v9 =	vld [tilespmem:$0x16440];
	(v2sf) =	vpush v61, $0xF;
	_ =	sdelay $0x4  }
0xc2: {  	vm13 =	vgt.s32 v52, v0;
	[tilespmem:v60+s30+$0x0] =	vst.idx.msk vm12, v9  }
0xc3: {  	v62 =	vadd.s32 v55, v6;
	v9 =	vld [tilespmem:$0x16450];
	_ =	sdelay $0x4  }
0xc4: {  	vm14 =	vgt.s32 v54, v0;
	[tilespmem:v62+s30+$0x0] =	vst.idx.msk vm13, v9  }
0xc5: {  	v8 =	vadd.s32 v8, v6;
	v9 =	vld [tilespmem:$0x16460];
	_ =	sdelay $0x2  }
0xc6: {  	s10 =	spop (v2sf)  }
0xc7: {  	p0 =	sgt.u32 s9, $0x1F7F;
	s10 =	sxor.u32 $0x80000000, s10  }
0xc8: {  	vm15 =	vgt.s32 v56, v0;
	[tilespmem:v8+s30+$0x0] =	vst.idx.msk vm14, v9;
	p1 =	slt.s32 @!p0 s10, $0x20  }
0xc9: {  	v63 =	vadd.s32 v58, v6;
	v8 =	vld [tilespmem:$0x16470];
	p0 =	por p0, !p1  }
.Ltmp2:
0xca: {  	_ = 	snop;
	(pc) =	sbr.rel @!p0 .LBB2_6-.Ltmp2, $2  }
0xcb: {  	_ =	sdelay $0x2  }
0xcc: {  	s6 =	sadd.s32 $0x200, s6;
	s9 =	sadd.s32 $0x80, s9;
	[tilespmem:v63+s30+$0x0] =	vst.idx.msk vm15, v8  }
0xcd: {  	_ =	sdelay $0x3  }
0xce: {  	v1 =	vld.idx.msk [tilespmem:v5+s30+$0x0], $0xffff  }
0xcf: {  	v2 =	vld [tilespmem:s20+$0xE300]  }
0xd0: {  	v3 =	vld [tilespmem:s20+$0xE310];
	s19 =	sadd.s32 $0x1, s19  }
0xd1: {  	v4 =	vmov s10;
	p0 =	sne.s32 s19, $0x100  }
.Ltmp3:
0xd2: {  	vm0 =	vgt.s32 v4, $0x0;
	(pc) =	sbr.rel @p0 .LBB2_5-.Ltmp3, $4  }
0xd3: {  	v63 =	vor.u32 $0x10, v0;
	vm14 =	vgt.s32 v4, v0;
	v1 =	vnsel vm0, $0x0, v1  }
0xd4: {  	vm15 =	vgt.s32 v4, v63;
	v2 =	vsel vm14, v2, v1  }
0xd5: {  	v1 =	vsel vm15, v3, v1;
	[tilespmem:s20+$0xE300] =	vst v2  }
0xd6: {  	[tilespmem:s20+$0xE310] =	vst v1  }
0xd7: {  	s6 =	simm.s32 $0x0  }
0xd8: {  	v1 =	vld [tilespmem:s6+$0x10400]  }
0xd9: {  	v2 =	vld [tilespmem:s6+$0xE300];
	_ =	sdelay $0x6  }
0xda: {  	v1 =	vld.idx.msk [tilespmem:v1+s18+$0x0], $0xffff  }
0xdb: {  	s9 =	simm.s32 $0x10;
	v3 =	vld.idx.msk [tilespmem:v2+s2+$0x0], $0xffff  }
0xdc: {  	s10 =	simm.s32 $0x80;
	v2 =	vld [tilespmem:s9+$0x10400]  }
.LBB2_9:
0xdd: {  	p0 =	sne.s32 s10, $0x7FC0;
	v4 =	vld [tilespmem:s9+$0xE300];
	_ =	sdelay $0x3  }
0xde: {  	v1 =	vsub.f32 v3, v1  }
.Ltmp4:
0xdf: {  	(pc) =	sbr.rel @p0 .LBB2_9-.Ltmp4, $4  }
0xe0: {  	[tilespmem:s6+$0x14400] =	vst v1;
	s6 =	smov.u32 s9  }
0xe1: {  	v1 =	vld.idx.msk [tilespmem:v2+s18+$0x0], $0xffff  }
0xe2: {  	s9 =	sshra.s32 s10, $0x2;
	v3 =	vld.idx.msk [tilespmem:v4+s2+$0x0], $0xffff  }
0xe3: {  	s10 =	sadd.s32 $0x40, s10;
	v2 =	vld [tilespmem:s9+$0x10400]  }
0xe4: {  	_ = 	snop  }
0xe5: {  	v4 =	vld [tilespmem:s9+$0xE300];
	_ =	sdelay $0x3  }
0xe6: {  	v1 =	vsub.f32 v3, v1;
	_ =	sdelay $0x1  }
0xe7: {  	[tilespmem:s6+$0x14400] =	vst v1  }
0xe8: {  	v1 =	vld.idx.msk [tilespmem:v2+s18+$0x0], $0xffff  }
0xe9: {  	v2 =	vld.idx.msk [tilespmem:v4+s2+$0x0], $0xffff;
	_ =	sdelay $0x4  }
0xea: {  	v1 =	vsub.f32 v2, v1;
	_ =	sdelay $0x1  }
0xeb: {  	[tilespmem:s9+$0x14400] =	vst v1  }
0xec: {  	[hbm4b:s8+s15] =	stream.strided.scatter [tilespmem:s31], [sflag:$0x1], $0x2000, s16, s15, $0x38;
	[tilespmem:$0x16480] =	vst v63  }
0xed: {  	_ =	swait.ge [sflag:s17], $0x2000  }
0xee: {  	[sflag:s17] =	ssyncset.done $0x0  }
0xef: {  	s6 =	simm.s32 $0x0;
	[sflag:s17] =	ssyncadd.s32 $0xFFFFE000  }
0xf0: {  	v1 =	vld [tilespmem:s6+$0x10400]  }
0xf1: {  	v2 =	vld [tilespmem:s6+$0xE300];
	_ =	sdelay $0x3  }
0xf2: {  	v4 =	vadd.s32 $0x100, v1  }
0xf3: {  	v2 =	vadd.s32 $0x2000, v2  }
0xf4: {  	s9 =	simm.s32 $0x10  }
0xf5: {  	v3 =	vld [tilespmem:s9+$0x10400]  }
0xf6: {  	v1 =	vld [tilespmem:s9+$0xE300]  }
0xf7: {  	s10 =	simm.s32 $0x80;
	v4 =	vld.idx.msk [tilespmem:v4+s18+$0x0], $0xffff  }
.LBB2_11:
0xf8: {  	p0 =	sne.s32 s10, $0x7FC0;
	v5 =	vld.idx.msk [tilespmem:v2+s2+$0x0], $0xffff;
	_ =	sdelay $0x3  }
0xf9: {  	v6 =	vadd.s32 $0x100, v3  }
.Ltmp5:
0xfa: {  	v2 =	vadd.s32 $0x2000, v1;
	(pc) =	sbr.rel @p0 .LBB2_11-.Ltmp5, $4  }
0xfb: {  	s19 =	sshra.s32 s10, $0x2;
	v4 =	vsub.f32 v5, v4  }
0xfc: {  	v1 =	vld [tilespmem:s19+$0xE300]  }
0xfd: {  	v3 =	vld [tilespmem:s19+$0x10400];
	[tilespmem:s6+$0x14400] =	vst v4;
	s6 =	smov.u32 s9;
	s9 =	smov.u32 s19  }
0xfe: {  	s10 =	sadd.s32 $0x40, s10;
	v4 =	vld.idx.msk [tilespmem:v6+s18+$0x0], $0xffff  }
0xff: {  	_ =	sdelay $0x3  }
0x100: {  	v2 =	vld.idx.msk [tilespmem:v2+s2+$0x0], $0xffff;
	_ =	sdelay $0x2  }
0x101: {  	v3 =	vadd.s32 $0x100, v3  }
0x102: {  	v1 =	vadd.s32 $0x2000, v1  }
0x103: {  	v2 =	vsub.f32 v2, v4;
	_ =	sdelay $0x1  }
0x104: {  	[tilespmem:s6+$0x14400] =	vst v2  }
0x105: {  	v2 =	vld.idx.msk [tilespmem:v3+s18+$0x0], $0xffff  }
0x106: {  	v1 =	vld.idx.msk [tilespmem:v1+s2+$0x0], $0xffff;
	_ =	sdelay $0x4  }
0x107: {  	v1 =	vsub.f32 v1, v2;
	_ =	sdelay $0x1  }
0x108: {  	[tilespmem:s9+$0x14400] =	vst v1  }
0x109: {  	[hbm4b:s11+s15] =	stream.strided.scatter [tilespmem:s31], [sflag:$0x1], $0x2000, s16, s15, $0x38;
	[tilespmem:$0x16480] =	vst v63  }
0x10a: {  	_ =	swait.ge [sflag:s17], $0x2000  }
0x10b: {  	[sflag:s17] =	ssyncset.done $0x0  }
0x10c: {  	s6 =	simm.s32 $0x0;
	[sflag:s17] =	ssyncadd.s32 $0xFFFFE000  }
0x10d: {  	v1 =	vld [tilespmem:s6+$0x10400]  }
0x10e: {  	v2 =	vld [tilespmem:s6+$0xE300];
	_ =	sdelay $0x3  }
0x10f: {  	v4 =	vadd.s32 $0x200, v1  }
0x110: {  	v2 =	vadd.s32 $0x4000, v2  }
0x111: {  	s9 =	simm.s32 $0x10  }
0x112: {  	v3 =	vld [tilespmem:s9+$0x10400]  }
0x113: {  	v1 =	vld [tilespmem:s9+$0xE300]  }
0x114: {  	s10 =	simm.s32 $0x80;
	v4 =	vld.idx.msk [tilespmem:v4+s18+$0x0], $0xffff  }
.LBB2_13:
0x115: {  	p0 =	sne.s32 s10, $0x7FC0;
	v5 =	vld.idx.msk [tilespmem:v2+s2+$0x0], $0xffff;
	_ =	sdelay $0x3  }
0x116: {  	v6 =	vadd.s32 $0x200, v3  }
.Ltmp6:
0x117: {  	v2 =	vadd.s32 $0x4000, v1;
	(pc) =	sbr.rel @p0 .LBB2_13-.Ltmp6, $4  }
0x118: {  	s19 =	sshra.s32 s10, $0x2;
	v4 =	vsub.f32 v5, v4  }
0x119: {  	v1 =	vld [tilespmem:s19+$0xE300]  }
0x11a: {  	v3 =	vld [tilespmem:s19+$0x10400];
	[tilespmem:s6+$0x14400] =	vst v4;
	s6 =	smov.u32 s9;
	s9 =	smov.u32 s19  }
0x11b: {  	s10 =	sadd.s32 $0x40, s10;
	v4 =	vld.idx.msk [tilespmem:v6+s18+$0x0], $0xffff  }
0x11c: {  	_ =	sdelay $0x3  }
0x11d: {  	v2 =	vld.idx.msk [tilespmem:v2+s2+$0x0], $0xffff;
	_ =	sdelay $0x2  }
0x11e: {  	v3 =	vadd.s32 $0x200, v3  }
0x11f: {  	v1 =	vadd.s32 $0x4000, v1  }
0x120: {  	v2 =	vsub.f32 v2, v4;
	_ =	sdelay $0x1  }
0x121: {  	[tilespmem:s6+$0x14400] =	vst v2  }
0x122: {  	v2 =	vld.idx.msk [tilespmem:v3+s18+$0x0], $0xffff  }
0x123: {  	v1 =	vld.idx.msk [tilespmem:v1+s2+$0x0], $0xffff;
	_ =	sdelay $0x4  }
0x124: {  	v1 =	vsub.f32 v1, v2;
	_ =	sdelay $0x1  }
0x125: {  	[tilespmem:s9+$0x14400] =	vst v1  }
0x126: {  	[hbm4b:s12+s15] =	stream.strided.scatter [tilespmem:s31], [sflag:$0x1], $0x2000, s16, s15, $0x38;
	[tilespmem:$0x16480] =	vst v63  }
0x127: {  	_ =	swait.ge [sflag:s17], $0x2000  }
0x128: {  	[sflag:s17] =	ssyncset.done $0x0  }
0x129: {  	s6 =	simm.s32 $0x0;
	[sflag:s17] =	ssyncadd.s32 $0xFFFFE000  }
.LBB2_15:
0x12a: {  	s9 =	sshll.u32 s6, $0xF  }
0x12b: {  	s9 =	sor.u32 s5, s9  }
0x12c: {  	s9 =	sshrl.u32 s9, $0x3  }
0x12d: {  	s9 =	sadd.s32 s3, s9  }
0x12e: {  	[tilespmem:s0], [sflag:$0x1] =	stream.strided.gather [hbm4b:s9+s15], $0x2000, s16, s15, $0x38;
	[tilespmem:$0x16480] =	vst v63  }
0x12f: {  	_ =	swait.ge [sflag:s17], $0x2000  }
0x130: {  	[sflag:s17] =	ssyncset.done $0x0  }
0x131: {  	s9 =	simm.s32 $0x0;
	[sflag:s17] =	ssyncadd.s32 $0xFFFFE000  }
0x132: {  	v1 =	vld [tilespmem:s9+$0xE300];
	_ =	sdelay $0x7  }
0x133: {  	s10 =	simm.s32 $0x10;
	s19 =	simm.s32 $0x80;
	v1 =	vld.idx.msk [tilespmem:v1+s0+$0x0], $0xffff  }
.LBB2_16:
0x134: {  	p0 =	sne.s32 s19, $0x7FC0;
	v2 =	vld [tilespmem:s10+$0xE300];
	_ =	sdelay $0x3  }
.Ltmp7:
0x135: {  	(pc) =	sbr.rel @p0 .LBB2_16-.Ltmp7, $2  }
0x136: {  	[tilespmem:s9+$0x14400] =	vst v1;
	s9 =	smov.u32 s10;
	_ =	sdelay $0x2  }
0x137: {  	s10 =	sshra.s32 s19, $0x2;
	s19 =	sadd.s32 $0x40, s19;
	v1 =	vld.idx.msk [tilespmem:v2+s0+$0x0], $0xffff  }
0x138: {  	v2 =	vld [tilespmem:s10+$0xE300];
	_ =	sdelay $0x6  }
0x139: {  	[tilespmem:s9+$0x14400] =	vst v1  }
0x13a: {  	v1 =	vld.idx.msk [tilespmem:v2+s0+$0x0], $0xffff;
	_ =	sdelay $0x1  }
0x13b: {  	s20 =	sshll.u32 s6, $0x12  }
0x13c: {  	s6 =	sadd.s32 $0x1, s6;
	s9 =	sadd.s32 s13, s20  }
0x13d: {  	p0 =	sne.s32 s6, $0x40;
	s9 =	sshrl.u32 s9, $0x3  }
.Ltmp8:
0x13e: {  	s9 =	sadd.s32 s4, s9;
	[tilespmem:s10+$0x14400] =	vst v1;
	(pc) =	sbr.rel @p0 .LBB2_15-.Ltmp8, $4  }
0x13f: {  	[hbm4b:s9+s15] =	stream.strided.scatter [tilespmem:s31], [sflag:$0x1], $0x2000, s16, s15, $0x38;
	[tilespmem:$0x16480] =	vst v63  }
0x140: {  	_ =	swait.ge [sflag:s17], $0x2000  }
0x141: {  	[sflag:s17] =	ssyncset.done $0x0  }
0x142: {  	[sflag:s17] =	ssyncadd.s32 $0xFFFFE000  }
0x143: {  	s1 =	sadd.s32 $0x1, s1  }
0x144: {  	p0 =	sne.s32 s1, s14  }
.Ltmp9:
0x145: {  	_ = 	snop;
	(pc) =	sbr.rel @p0 .LBB2_1-.Ltmp9, $1  }
0x146: {  	_ =	sdelay $0x3  }
0x147: {  	_ =	sfence.sel $0x180000  }
0x148: {  	[bflag:$0x0] =	sbarrier.arrive $0xFFFF  }
0x149: {  	_ =	strace $0x90000047  }
0x14a: {  	s0 =	stileid.u32;
	[bflag:$0x2] =	sbarrier.arrive $0xFFFF  }
0x14b: {  	p0 =	sne.s32 s0, $0x0;
	s0 =	rddreg [dreg:$0x3]  }
0x14c: {  	s0 =	sadd.s32 @!p0 $0x100000, s0  }
0x14d: {  	[sflag:s0] =	ssyncadd.tile.s32 @!p0 $0x1;
	_ =	shalt  }
.Lfunc_end2:
_tile_overlayer_lowered:
.L_overlay_start_2:
0x14e: {  	(tag) =	ssettag $0x2  }
0x14f: {  	s0 =	rddreg [dreg:$0x0];
	s2 =	stileid.u32  }
0x150: {  	s1 =	rddreg [dreg:$0x1];
	p0 =	sne.s32 s2, $0x0  }
0x151: {  	s3 =	rddreg [dreg:$0x2];
	[bflag:$0x3] =	sbarrier.arrive $0xFFFF;
	s2 =	simm.s32 @!p0 $0x1C01  }
0x152: {  	[timem:s3], [sflag:s2] =	dma.local @!p0 [hbm:s0], s1  }
0x153: {  	s0 =	simm.s32 @!p0 $0x1  }
0x154: {  	_ =	swait.ge @!p0 [sflag:s0], s1  }
0x155: {  	s1 =	ssub.s32 @!p0 $0x0, s1;
	[sflag:s0] =	ssyncset.done @!p0 $0x0  }
0x156: {  	[sflag:s0] =	ssyncadd.s32 @!p0 s1  }
0x157: {  	[bflag:$0x3] =	sbarrier.arrive $0xFFFF  }
0x158: {  	_ =	shalt  }

// kernel: sparse-core-data-format-call.cloned.1.call-start
scs
called_computation_lowered:
.L_overlay_start_0:
0x0: {  	s2 =	sld [smem:$0x3FD9]  }
0x1: {  	s3 =	sld [smem:$0x3FFE];
	_ =	sdelay $0x1  }
0x2: {  	s1 =	srdreg.scid  }
0x3: {  	s0 =	sand.u32 $0x1, s1  }
0x4: {  	s18 =	sshll.u32 s0, $0xA;
	s2 =	sadd.s32 s3, s2  }
0x5: {  	s2 =	sadd.s32 s2, s18  }
0x6: {  	[smem:$0x3FC5] =	sst s2  }
0x7: {  	_ = 	snop  }
0x8: {  	s2 =	sld [smem:$0x3FD0];
	(tm) =	ssettm $0x1  }
0x9: {  	s19 =	sld [smem:$0x3FFB];
	_ =	sdelay $0x3  }
0xa: {  	_ =	strace s19  }
0xb: {  	s3 =	sld [smem:$0x3FFC];
	_ =	sdelay $0x3  }
0xc: {  	_ =	strace s3  }
0xd: {  	s3 =	sld [smem:$0x3FFD];
	_ =	sdelay $0x3  }
0xe: {  	_ =	strace s3  }
0xf: {  	_ =	strace $0x8FFFFFFF  }
0x10: {  	s20 =	sld [smem:$0x3FDB];
	_ =	sdelay $0x1  }
0x11: {  	s4 =	simm.s32 $_scs_section_size  }
0x12: {  	s5 =	simm.s32 $_size__tile_overlayer_lowered;
	s6 =	simm.s32 $_tile_overlayer_lowered  }
0x13: {  	s23 =	simm.s32 $0x1BFF;
	s22 =	sshll.u32 s6, $0x1;
	s3 =	sadd.s32 s4, s20  }
0x14: {  	s7 =	simm.s32 $0x0;
	s21 =	sshll.u32 s5, $0x1;
	s5 =	sadd.s32 s22, s3  }
0x15: {  	[timem:s7], [sflag:s23] =	dma.local [hbm:s5], s21  }
0x16: {  	_ =	swait.ge [sflag:s23], s21  }
0x17: {  	s4 =	ssub.s32 $0x0, s21;
	[sflag:s23] =	ssyncset.done $0x0  }
0x18: {  	[sflag:s23] =	ssyncadd.s32 s4;
	_ =	sdelay $0x1  }
0x19: {  	s24 =	simm.s32 $0x1B8B  }
0x1a: {  	_ =	swait.ge [sflag:s24], $0x1  }
0x1b: {  	[sflag:s24] =	ssyncset.done $0x0  }
0x1c: {  	s26 =	simm.s32 $0x1B8E;
	s25 =	sld [smem:$0x3FFE];
	[sflag:s24] =	ssyncadd.s32 $0xFFFFFFFF  }
0x1d: {  	s27 =	simm.s32 $execute0_lowered;
	[smem:$0x3FD2] =	sst s26  }
0x1e: {  	s5 =	sshll.u32 s27, $0x1;
	_ =	strace $0x80000049;
	[dreg:$0x1] =	wrdreg $0xFFFFFFFF  }
0x1f: {  	s28 =	simm.s32 $_size_execute0_lowered;
	s3 =	sadd.s32 s3, s5;
	[dreg:$0x0] =	wrdreg $0x0  }
0x20: {  	s5 =	sshll.u32 s28, $0x1;
	[dreg:$0x2] =	wrdreg s3  }
0x21: {  	[dreg:$0x3] =	wrdreg s5  }
0x22: {  	[dreg:$0x4] =	wrdreg $0xC0  }
0x23: {  	_ =	task [dreg:s7], $0x5FFFF  }
0x24: {  	[dreg:$0x1] =	wrdreg $0xFFFFFFFF  }
0x25: {  	[dreg:$0x0] =	wrdreg $0x60  }
0x26: {  	[dreg:$0x2] =	wrdreg s25  }
0x27: {  	[dreg:$0x3] =	wrdreg s2  }
0x28: {  	[dreg:$0x4] =	wrdreg $0x9  }
0x29: {  	_ =	task.clear_ibuf [dreg:s7], $0x5FFFF;
	_ =	strace $0x90000049  }
0x2a: {  	s29 =	simm.s32 $0x9;
	_ =	strace $0x8000004B  }
0x2b: {  	_ =	swait.ge [sflag:s29], $0x1  }
0x2c: {  	[sflag:s29] =	ssyncadd.s32 $0xFFFFFFFF  }
0x2d: {  	_ =	strace $0x9000004B  }
0x2e: {  	_ =	sfence  }
0x2f: {  	s30 =	sld [smem:$0x0];
	_ =	sdelay $0x2  }
0x30: {  	s31 =	sshll.u32 s1, $0xD;
	s1 =	sshrl.u32 s1, $0x2  }
0x31: {  	s3 =	sand.u32 $0x4000, s31;
	s1 =	sadd.s32 s1, s30  }
0x32: {  	s0 =	sor.u32 s3, s0;
	s1 =	sshll.u32 s1, $0x11  }
0x33: {  	s0 =	sor.u32 s1, s0  }
0x34: {  	s0 =	sadd.s32 $0x8F2B, s0  }
0x35: {  	[sflag:s0] =	ssyncadd.remote.s32 $0x1  }
0x36: {  	_ =	sfence.sel $0xFFFF  }
0x37: {  	[dreg:$0x0] =	wrdreg $0xFFFFFFFF;
	(pc) =	sbr.abs _section_cstart, $3  }
0x38: {  	[dreg:$0x1] =	wrdreg $0xFFFFFFFF  }
0x39: {  	_ =	task.clear_ibuf [dreg:s7], $0x2FFFF;
	_ =	strace $0x9FFFFFFF  }
0x3a: {  	(tm) =	ssettm $0x7FFFFFFF  }
0x3b: {  	_ =	shalt  }
tec
execute0_lowered:
.L_overlay_start_1:
0x0: {  	(tag) =	ssettag $0x1  }
0x1: {  	s0 =	stileid.u32;
	s1 =	srdreg.scid  }
0x2: {  	s5 =	rddreg [dreg:$0x0];
	s2 =	sshll.u32 s0, $0x5;
	s1 =	sshll.u32 s1, $0x9  }
0x3: {  	s3 =	rddreg [dreg:$0x1];
	s6 =	simm.s32 $0x1;
	s1 =	sor.u32 s2, s1  }
0x4: {  	s8 =	simm.s32 $0x2;
	s14 =	simm.s32 $0x0;
	s2 =	sand.u32 $0x380, s1  }
0x5: {  	s9 =	simm.s32 $0x4000;
	s15 =	simm.s32 $0x0;
	s4 =	ssub.s32 $0x800, s2  }
0x6: {  	s16 =	simm.s32 $0x0;
	s11 =	simm.s32 $0x0;
	s31 =	sand.u32 $0x380, s4  }
0x7: {  	s13 =	simm.s32 $0x0;
	s7 =	sand.u32 $0x3, s0;
	p0 =	sne.s32 s31, $0x0  }
.Ltmp0:
0x8: {  	s4 =	sshrl.u32 s4, $0xA;
	s6 =	simm.s32 @!p0 $0x0;
	(pc) =	sbr.rel .LBB1_1-.Ltmp0, $4  }
0x9: {  	s1 =	rddreg [dreg:$0x2];
	_ =	strace $0x8000004A;
	s6 =	sadd.s32 s6, s4  }
0xa: {  	s4 =	sadd.s32 $0x600, s5;
	s5 =	simm.s32 $0x1;
	s6 =	smul.u32 $0x43, s6  }
0xb: {  	s12 =	smov.u32 s7;
	s10 =	smov.u32 s2;
	[sflag:s5] =	ssyncpa.u1 $0x0  }
0xc: {  	p0 =	por $0x0, $0x0;
	[sflag:s8] =	ssyncpa.u1 $0x0;
	s8 =	sadd.s32 $0x1, s6  }
.LBB1_4:
0xd: {  	s16 =	smul.u32 $0x86000, s16  }
0xe: {  	s19 =	sshll.u32 s14, $0x3;
	s20 =	sand.u32 $0x78, s14;
	s15 =	sshll.u32 s15, $0xD  }
0xf: {  	s30 =	sand.u32 $0x1F00, s14;
	s19 =	sand.u32 $0x400, s19;
	s16 =	sadd.s32 s3, s16  }
0x10: {  	s31 =	sand.u32 $0x7, s14;
	s19 =	sor.u32 s20, s19;
	s15 =	sadd.s32 s15, s16  }
0x11: {  	s14 =	sshll.u32 s31, $0x12;
	s19 =	sshrl.u32 s19, $0x3;
	s15 =	sadd.s32 s30, s15  }
0x12: {  	[tilespmem:s18+$0x0 ss:$0x81] =	vst.msk $0xffff, v0;
	s14 =	sor.u32 $0x400, s14;
	s15 =	sadd.s32 s19, s15  }
0x13: {  	[hbm4b:s15+s14] =	stream.strided.scatter [tilespmem:s17], [sflag:$0x2], $0x1000, s9, s14, $0x20;
	[tilespmem:$0x4040] =	vst v63  }
.LBB1_5:
0x14: {  	s17 =	sadd.s32 $0x400, s10  }
0x15: {  	s14 =	simm.s32 $0x1;
	p2 =	sgt.s32 s17, $0x7FF  }
0x16: {  	s14 =	simm.s32 @!p2 $0x0  }
0x17: {  	s18 =	sadd.s32 s14, s11  }
0x18: {  	s20 =	smov.u32 s12;
	s14 =	sadd.s32 $0x4, s12;
	p3 =	sgt.s32 s18, $0x42  }
0x19: {  	s20 =	smov.u32 @p3 s14  }
0x1a: {  	p1 =	slt.u32 s13, $0x2;
	s17 =	smov.u32 @p2 s2;
	p2 =	sgt.s32 s20, $0x3  }
0x1b: {  	s19 =	simm.s32 @!p1 $0x2;
	s20 =	smov.u32 @p2 s7;
	p2 =	sne.s32 s13, s8  }
.Ltmp1:
0x1c: {  	_ =	swait.ge @!p1 [sflag:s19], $0x1000;
	(pc) =	sbr.rel @!p2 .LBB1_6-.Ltmp1, $4  }
0x1d: {  	s15 =	smov.u32 s11;
	[sflag:s19] =	ssyncset.done @!p1 $0x0  }
0x1e: {  	s16 =	smov.u32 s12;
	p0 =	por !p0, !p0;
	[sflag:s19] =	ssyncadd.s32 @!p1 $0xFFFFF000  }
0x1f: {  	s18 =	simm.s32 @p3 $0x0;
	s14 =	smov.u32 s10;
	s10 =	smov.u32 s17  }
0x20: {  	s11 =	smov.u32 s18;
	s13 =	sadd.s32 $0x1, s13;
	s12 =	smov.u32 s20  }
.LBB1_1:
0x21: {  	p1 =	sge.u32 s13, s6  }
0x22: {  	s18 =	smul.u32 @!p1 $0x218000, s12  }
0x23: {  	s31 =	sadd.s32 $0xFFFFFFFF, s13;
	s17 =	sxor.u32 @!p1 $0xFFFFFFFF, s13;
	s19 =	sshll.u32 @!p1 s11, $0xF  }
0x24: {  	s20 =	sshll.u32 @!p1 s10, $0x4;
	s17 =	sshll.u32 @!p1 s17, $0xC;
	s18 =	sadd.s32 @!p1 s4, s18  }
0x25: {  	s20 =	sand.u32 @!p1 $0x7FF0, s20;
	s17 =	sand.u32 @!p1 $0x1000, s17;
	s18 =	sadd.s32 @!p1 s19, s18  }
0x26: {  	s19 =	simm.s32 @!p1 $0x20;
	s18 =	sadd.s32 @!p1 s20, s18;
	s20 =	simm.s32 @!p1 $0x80  }
0x27: {  	[tilespmem:s17], [sflag:$0x1] =	stream.strided.gather @!p1 [hbm4b:s18+s19], $0x1000, s20, s19, $0x38;
	[tilespmem:$0x4040] =	vst v63  }
0x28: {  	p1 =	sge.u32 s31, s6  }
.Ltmp2:
0x29: {  	_ = 	snop;
	(pc) =	sbr.rel @p1 .LBB1_5-.Ltmp2, $1  }
0x2a: {  	_ =	sdelay $0x3  }
0x2b: {  	s17 =	simm.s32 $0x1  }
0x2c: {  	_ =	swait.ge [sflag:s5], $0x1000;
	s17 =	simm.s32 @!p0 $0x0  }
0x2d: {  	[sflag:s5] =	ssyncset.done $0x0;
	s18 =	sshll.u32 s17, $0xC  }
0x2e: {  	[sflag:s5] =	ssyncadd.s32 $0xFFFFF000;
	s21 =	sor.u32 $0x10, s18  }
0x2f: {  	s17 =	smul.u32 $0x4080, s17;
	v1 =	vld [tilespmem:s21+$0x0]  }
0x30: {  	s30 =	sand.u32 $0x1, s13;
	v0 =	vld [tilespmem:s21+$0xFFFFFFF0]  }
0x31: {  	s18 =	smul.u32 $0x4080, s30;
	s17 =	sshrl.u32 s17, $0x2  }
0x32: {  	s19 =	sor.u32 $0x2000, s17  }
0x33: {  	s31 =	sshrl.u32 s18, $0x2;
	s18 =	sadd.s32 $0x0, s19  }
0x34: {  	s20 =	simm.s32 $0x4;
	s21 =	sadd.s32 $0x20, s21;
	s17 =	sor.u32 $0x2000, s31;
	[tilespmem:s18+$0x810 ss:$0x81] =	vst.msk $0xffff, v1  }
.LBB1_3:
0x35: {  	v1 =	vld [tilespmem:s21+$0x0];
	p1 =	sne.s32 s20, $0x1FC;
	[tilespmem:s18+$0x0 ss:$0x81] =	vst.msk $0xffff, v0;
	s18 =	smov.u32 s20;
	s20 =	sadd.s32 $0x4, s20  }
.Ltmp3:
0x36: {  	v0 =	vld [tilespmem:s21+$0xFFFFFFF0];
	(pc) =	sbr.rel @p1 .LBB1_3-.Ltmp3, $4  }
0x37: {  	_ = 	snop  }
0x38: {  	s18 =	sshra.s32 s18, $0x2  }
0x39: {  	s18 =	sadd.s32 s18, s19  }
0x3a: {  	s21 =	sadd.s32 $0x20, s21;
	[tilespmem:s18+$0x810 ss:$0x81] =	vst.msk $0xffff, v1  }
.Ltmp4:
0x3b: {  	_ = 	snop;
	(pc) =	sbr.rel .LBB1_4-.Ltmp4, $1  }
0x3c: {  	_ =	sdelay $0x3  }
.LBB1_6:
0x3d: {  	_ =	sfence.sel $0x180000  }
0x3e: {  	s2 =	simm.s32 $0x1;
	[bflag:$0x0] =	sbarrier.arrive $0xFFFF  }
0x3f: {  	s31 =	simm.s32 $0x2;
	[sflag:s2] =	ssyncpa.u1 $0x1  }
0x40: {  	[sflag:s31] =	ssyncpa.u1 $0x1  }
0x41: {  	p0 =	sne.s32 s0, $0x0;
	_ =	strace $0x9000004A  }
0x42: {  	s0 =	sadd.s32 @!p0 $0x100000, s1;
	[bflag:$0x2] =	sbarrier.arrive $0xFFFF  }
0x43: {  	[sflag:s0] =	ssyncadd.tile.s32 @!p0 $0x1;
	_ =	shalt  }
.Lfunc_end1:
_tile_overlayer_lowered:
.L_overlay_start_2:
0x44: {  	(tag) =	ssettag $0x2  }
0x45: {  	s0 =	rddreg [dreg:$0x0];
	s2 =	stileid.u32  }
0x46: {  	s1 =	rddreg [dreg:$0x1];
	p0 =	sne.s32 s2, $0x0  }
0x47: {  	s3 =	rddreg [dreg:$0x2];
	[bflag:$0x3] =	sbarrier.arrive $0xFFFF;
	s2 =	simm.s32 @!p0 $0x1C01  }
0x48: {  	[timem:s3], [sflag:s2] =	dma.local @!p0 [hbm:s0], s1  }
0x49: {  	s0 =	simm.s32 @!p0 $0x1  }
0x4a: {  	_ =	swait.ge @!p0 [sflag:s0], s1  }
0x4b: {  	s1 =	ssub.s32 @!p0 $0x0, s1;
	[sflag:s0] =	ssyncset.done @!p0 $0x0  }
0x4c: {  	[sflag:s0] =	ssyncadd.s32 @!p0 s1  }
0x4d: {  	[bflag:$0x3] =	sbarrier.arrive $0xFFFF  }
0x4e: {  	_ =	shalt  }

</sc_bundles>
